<compile_context>
chip_gen: v7x
topology: tpu7x:2x2x1
jax: 0.10.2.dev20260603
libtpu: 0.0.44.dev20260713+nightly
codegen_flags: <defaults>
</compile_context>

<pallas_src>
import functools

import jax
import jax.numpy as jnp
from jax import lax
from jax.experimental import pallas as pl
from jax.experimental.pallas import tpu as pltpu
from jax.experimental.pallas import tpu_sc as plsc

BATCH = 4096
A_DIM = 8192
B_DIM = 4096
NUM_WORKERS = 32
ROWS = BATCH // NUM_WORKERS
SUB = 8
NSUB = ROWS // SUB
WIN = B_DIM + 128
KEPT = 31 * 128


def _slice_assign(a_hbm, b_hbm, i_hbm, out_hbm, i_v, win_buf, bb0,
                  shared, sem_a, sem_b0, sem_e, sem_w, sem_s0, sem_s1):
    wid = lax.axis_index("s") * 2 + lax.axis_index("c")
    sl = lax.axis_index("s")
    r0 = wid * ROWS

    pltpu.sync_copy(i_hbm, i_v)
    i_sc = jnp.max(i_v[...])
    lanes = lax.iota(jnp.int32, 16)
    q = i_sc >> 7
    r = i_sc & 127

    a_chunks = []
    for k in range(4, -1, -1):
        w = 1 << k
        mask_hi = (~(2 * w - 1)) & 31
        off1 = 128 * (q & mask_hi)
        a_chunks.append(((q & w) != 0, off1, off1, 128 * w))
        w3 = 31 - q
        off3 = 128 * (q + 33 + (w3 & mask_hi))
        a_chunks.append(((w3 & w) != 0, off3, off3 - 128 * 33, 128 * w))

    def spmem_copies(sub, slot, sem, direction, op):
        rows8 = pl.ds(r0 + sub * SUB, SUB)
        spm = shared.at[sl, slot]
        for cond, hoff, soff, width in a_chunks:
            def run(hoff=hoff, soff=soff, width=width):
                if direction == "in":
                    c = pltpu.make_async_copy(
                        a_hbm.at[rows8, pl.ds(hoff, width)],
                        spm.at[:, pl.ds(soff, width)], sem_a)
                else:
                    c = pltpu.make_async_copy(
                        spm.at[:, pl.ds(soff, width)],
                        out_hbm.at[rows8, pl.ds(hoff, width)], sem)
                c.start() if op == "start" else c.wait()
            pl.when(cond)(run)

    def edge_copies(sub, op):
        rows8 = pl.ds(r0 + sub * SUB, SUB)
        for woff, boff in ((0, 0), (B_DIM, 32 * 128)):
            c = pltpu.make_async_copy(
                a_hbm.at[rows8, pl.ds(128 * q + boff, 128)],
                win_buf.at[:, woff:woff + 128], sem_e)
            c.start() if op == "start" else c.wait()

    def b_copy(sub, bb, sem):
        rows8 = pl.ds(r0 + sub * SUB, SUB)
        return pltpu.make_async_copy(b_hbm.at[rows8, :], bb, sem)

    def win_out(sub):
        rows8 = pl.ds(r0 + sub * SUB, SUB)
        return pltpu.make_async_copy(
            win_buf, out_hbm.at[rows8, pl.ds(128 * q, WIN)], sem_w)

    def body(sub, carry):
        b_copy(sub, bb0, sem_b0).start()
        @pl.when(sub > 0)
        def _():
            win_out(sub - 1).wait()
        edge_copies(sub, "start")
        edge_copies(sub, "wait")
        b_copy(sub, bb0, sem_b0).wait()
        @pl.when(sub > 0)
        def _():
            spmem_copies(sub - 1, 0, sem_s0, "out", "wait")
        spmem_copies(sub, 0, sem_s0, "in", "start")
        for row in range(SUB):
            row_v = jnp.full((16,), row, jnp.int32)
            @plsc.parallel_loop(0, B_DIM, step=16, unroll=8)
            def _overwrite(tb):
                vals = bb0[row, pl.ds(tb, 16)]
                idx = lanes + (r + tb)
                plsc.store_scatter(win_buf, [row_v, idx], vals)
        win_out(sub).start()
        spmem_copies(sub, 0, sem_s0, "in", "wait")
        spmem_copies(sub, 0, sem_s0, "out", "start")
        return carry

    lax.fori_loop(0, NSUB, body, 0)

    win_out(NSUB - 1).wait()
    spmem_copies(NSUB - 1, 0, sem_s0, "out", "wait")


def kernel(a, b, i):
    i16 = jnp.broadcast_to(i.astype(jnp.int32), (16,))
    mesh = plsc.VectorSubcoreMesh(core_axis_name="c", subcore_axis_name="s")
    run = functools.partial(
        pl.kernel,
        mesh=mesh,
        out_type=jax.ShapeDtypeStruct((BATCH, A_DIM), jnp.float32),
        scratch_types=[
            pltpu.VMEM((16,), jnp.int32),
            pltpu.VMEM((SUB, WIN), jnp.float32),
            pltpu.VMEM((SUB, B_DIM), jnp.float32),
            pltpu.VMEM_SHARED((16, 1, SUB, KEPT), jnp.float32),
            pltpu.SemaphoreType.DMA,
            pltpu.SemaphoreType.DMA,
            pltpu.SemaphoreType.DMA,
            pltpu.SemaphoreType.DMA,
            pltpu.SemaphoreType.DMA,
            pltpu.SemaphoreType.DMA,
        ],
        compiler_params=pltpu.CompilerParams(needs_layout_passes=False),
    )(_slice_assign)
    return run(a, b, i16)

# --- scband reference (transcript-rebuilt; emitter-appended) ---
"""Pipeline reference for scband-slice-assign-14963666059284 (READ-ONLY COPY).

The authoritative reference and input builder live on the scoring server;
editing this copy changes nothing except your own understanding.
"""

import jax, jax.numpy as jnp
import numpy as np

BATCH = 4096
A_DIM = 8192
B_DIM = 4096


def setup_inputs(seed: int = 0) -> dict:
    key = jax.random.key(seed)
    k1, k2, k3 = jax.random.split(key, 3)
    a = jax.random.normal(k1, (BATCH, A_DIM), dtype=jnp.float32)
    b = jax.random.normal(k2, (BATCH, B_DIM), dtype=jnp.float32)
    i = jax.random.randint(k3, (1,), 0, A_DIM - B_DIM, dtype=jnp.int32)
    return {"a": a, "b": b, "i": i}


def reference(a, b, i):
    # Faithful translation of SliceAssign.call:
    #   if i[0] + b_dim <= a_dim: concat(a[:, :i], b, a[:, i+b_dim:])
    #   else:                      concat(a[:, :i], b[:, :a_dim - i])
    # Both branches are equivalent to: column j takes b[:, j - i] when
    # i <= j < min(i + b_dim, a_dim), otherwise a[:, j]. Implemented with a
    # gather + masked select so shapes are static under jit.
    start = i[0]
    cols = jnp.arange(A_DIM)
    b_idx = jnp.clip(cols - start, 0, B_DIM - 1)
    b_gathered = jnp.take(b, b_idx, axis=1)  # [BATCH, A_DIM]
    mask = (cols >= start) & (cols < start + B_DIM)  # [A_DIM]
    out = jnp.where(mask[None, :], b_gathered, a)
    return out

if __name__ == "__main__":
    import jax
    _d = setup_inputs()
    print(jax.jit(kernel)(*tuple(_d.values())))

</pallas_src>

<mosaic_0001>
#map = affine_map<(d0, d1) -> (0, 0)>
#map1 = affine_map<(d0, d1) -> (0)>
module attributes {stable_mosaic.version = 14 : i64} {
  func.func @_slice_assign(%arg0: i32, %arg1: i32, %arg2: memref<4096x8192xf32, #tpu.memory_space<hbm>>, %arg3: memref<4096x4096xf32, #tpu.memory_space<hbm>>, %arg4: memref<16xi32, #tpu.memory_space<hbm>>, %arg5: memref<4096x8192xf32, #tpu.memory_space<hbm>>, %arg6: memref<16xi32, #tpu.memory_space<vmem>>, %arg7: memref<8x4224xf32, #tpu.memory_space<vmem>>, %arg8: memref<8x4096xf32, #tpu.memory_space<vmem>>, %arg9: memref<16x1x8x3968xf32, #tpu.memory_space<vmem_shared>>, %arg10: memref<!tpu.dma_semaphore, #tpu.memory_space<semaphore_mem>>, %arg11: memref<!tpu.dma_semaphore, #tpu.memory_space<semaphore_mem>>, %arg12: memref<!tpu.dma_semaphore, #tpu.memory_space<semaphore_mem>>, %arg13: memref<!tpu.dma_semaphore, #tpu.memory_space<semaphore_mem>>, %arg14: memref<!tpu.dma_semaphore, #tpu.memory_space<semaphore_mem>>, %arg15: memref<!tpu.dma_semaphore, #tpu.memory_space<semaphore_mem>>) attributes {dimension_semantics = [#tpu.dimension_semantics<core_parallel>, #tpu.dimension_semantics<subcore_parallel>], iteration_bounds = array<i64: 2, 16>, scalar_prefetch = 0 : i64, scratch_operands = 10 : i64, tpu.core_type = #tpu.core_type<sc_vector_subcore>, window_params = [{transform_indices = #map}, {transform_indices = #map}, {transform_indices = #map1}, {transform_indices = #map}]} {
    %mul3A = arith.constant 2 : i32
    %mul3A_0 = arith.muli %arg1, %mul3A : i32
    %add3A = arith.addi %mul3A_0, %arg0 : i32
    %mul3A_1 = arith.constant 128 : i32
    %mul3A_2 = arith.muli %add3A, %mul3A_1 : i32
    "tpu.region"() ({
      %run_scoped3A = tpu.sem_alloc : memref<!tpu.dma_semaphore, #tpu.memory_space<semaphore_mem>>
      tpu.enqueue_dma source(%arg4 : memref<16xi32, #tpu.memory_space<hbm>>) target(%arg6 : memref<16xi32, #tpu.memory_space<vmem>>) target_semaphore(%run_scoped3A : memref<!tpu.dma_semaphore, #tpu.memory_space<semaphore_mem>>)
      tpu.wait_dma2 semaphore(%run_scoped3A : memref<!tpu.dma_semaphore, #tpu.memory_space<semaphore_mem>>) src(%arg4 : memref<16xi32, #tpu.memory_space<hbm>>) dst(%arg6 : memref<16xi32, #tpu.memory_space<vmem>>)
      tpu.yield
    }) : () -> ()
    %get3A = arith.constant 0 : index
    %get3A_3 = tpu.vector_load %arg6[%get3A] {strides = array<i32>} : memref<16xi32, #tpu.memory_space<vmem>>, vector<16xi32>,
    %reduce_max3A = arith.constant true
    %reduce_max3A_4 = vector.broadcast %reduce_max3A : i1 to vector<16xi1>
    %reduce_max3A_5 = arith.constant -2147483648 : i32
    %reduce_max3A_6 = vector.broadcast %reduce_max3A_5 : i32 to vector<16xi32>
    %reduce_max3A_7 = arith.xori %get3A_3, %reduce_max3A_6 : vector<16xi32>
    %reduce_max3A_8 = tpu.scan <max>, %reduce_max3A_7 masked %reduce_max3A_4 : vector<16xi32>, vector<16xi1> -> vector<16xi32>
    %reduce_max3A_9 = arith.xori %reduce_max3A_8, %reduce_max3A_6 : vector<16xi32>
    %reduce_max3A_10 = vector.extract %reduce_max3A_9[15] : i32 from vector<16xi32>
    %iota3A = tpu.iota {dimensions = array<i32: 0>} : vector<16xi32>
    %shift_right_arithmetic3A = arith.constant 7 : i32
    %shift_right_arithmetic3A_11 = arith.shrsi %reduce_max3A_10, %shift_right_arithmetic3A : i32
    %and3A = arith.constant 127 : i32
    %and3A_12 = arith.andi %reduce_max3A_10, %and3A : i32
    %and3A_13 = arith.constant 0 : i32
    %and3A_14 = arith.andi %shift_right_arithmetic3A_11, %and3A_13 : i32
    %mul3A_15 = arith.constant 128 : i32
    %mul3A_16 = arith.muli %mul3A_15, %and3A_14 : i32
    %and3A_17 = arith.constant 16 : i32
    %and3A_18 = arith.andi %shift_right_arithmetic3A_11, %and3A_17 : i32
    %ne3A = arith.constant 0 : i32
    %ne3A_19 = arith.cmpi ne, %and3A_18, %ne3A : i32
    %sub3A = arith.constant 31 : i32
    %sub3A_20 = arith.subi %sub3A, %shift_right_arithmetic3A_11 : i32
    %add3A_21 = arith.constant 33 : i32
    %add3A_22 = arith.addi %shift_right_arithmetic3A_11, %add3A_21 : i32
    %and3A_23 = arith.constant 0 : i32
    %and3A_24 = arith.andi %sub3A_20, %and3A_23 : i32
    %add3A_25 = arith.addi %add3A_22, %and3A_24 : i32
    %mul3A_26 = arith.constant 128 : i32
    %mul3A_27 = arith.muli %mul3A_26, %add3A_25 : i32
    %and3A_28 = arith.constant 16 : i32
    %and3A_29 = arith.andi %sub3A_20, %and3A_28 : i32
    %ne3A_30 = arith.constant 0 : i32
    %ne3A_31 = arith.cmpi ne, %and3A_29, %ne3A_30 : i32
    %sub3A_32 = arith.constant 4224 : i32
    %sub3A_33 = arith.subi %mul3A_27, %sub3A_32 : i32
    %and3A_34 = arith.constant 16 : i32
    %and3A_35 = arith.andi %shift_right_arithmetic3A_11, %and3A_34 : i32
    %mul3A_36 = arith.constant 128 : i32
    %mul3A_37 = arith.muli %mul3A_36, %and3A_35 : i32
    %and3A_38 = arith.constant 8 : i32
    %and3A_39 = arith.andi %shift_right_arithmetic3A_11, %and3A_38 : i32
    %ne3A_40 = arith.constant 0 : i32
    %ne3A_41 = arith.cmpi ne, %and3A_39, %ne3A_40 : i32
    %sub3A_42 = arith.constant 31 : i32
    %sub3A_43 = arith.subi %sub3A_42, %shift_right_arithmetic3A_11 : i32
    %add3A_44 = arith.constant 33 : i32
    %add3A_45 = arith.addi %shift_right_arithmetic3A_11, %add3A_44 : i32
    %and3A_46 = arith.constant 16 : i32
    %and3A_47 = arith.andi %sub3A_43, %and3A_46 : i32
    %add3A_48 = arith.addi %add3A_45, %and3A_47 : i32
    %mul3A_49 = arith.constant 128 : i32
    %mul3A_50 = arith.muli %mul3A_49, %add3A_48 : i32
    %and3A_51 = arith.constant 8 : i32
    %and3A_52 = arith.andi %sub3A_43, %and3A_51 : i32
    %ne3A_53 = arith.constant 0 : i32
    %ne3A_54 = arith.cmpi ne, %and3A_52, %ne3A_53 : i32
    %sub3A_55 = arith.constant 4224 : i32
    %sub3A_56 = arith.subi %mul3A_50, %sub3A_55 : i32
    %and3A_57 = arith.constant 24 : i32
    %and3A_58 = arith.andi %shift_right_arithmetic3A_11, %and3A_57 : i32
    %mul3A_59 = arith.constant 128 : i32
    %mul3A_60 = arith.muli %mul3A_59, %and3A_58 : i32
    %and3A_61 = arith.constant 4 : i32
    %and3A_62 = arith.andi %shift_right_arithmetic3A_11, %and3A_61 : i32
    %ne3A_63 = arith.constant 0 : i32
    %ne3A_64 = arith.cmpi ne, %and3A_62, %ne3A_63 : i32
    %sub3A_65 = arith.constant 31 : i32
    %sub3A_66 = arith.subi %sub3A_65, %shift_right_arithmetic3A_11 : i32
    %add3A_67 = arith.constant 33 : i32
    %add3A_68 = arith.addi %shift_right_arithmetic3A_11, %add3A_67 : i32
    %and3A_69 = arith.constant 24 : i32
    %and3A_70 = arith.andi %sub3A_66, %and3A_69 : i32
    %add3A_71 = arith.addi %add3A_68, %and3A_70 : i32
    %mul3A_72 = arith.constant 128 : i32
    %mul3A_73 = arith.muli %mul3A_72, %add3A_71 : i32
    %and3A_74 = arith.constant 4 : i32
    %and3A_75 = arith.andi %sub3A_66, %and3A_74 : i32
    %ne3A_76 = arith.constant 0 : i32
    %ne3A_77 = arith.cmpi ne, %and3A_75, %ne3A_76 : i32
    %sub3A_78 = arith.constant 4224 : i32
    %sub3A_79 = arith.subi %mul3A_73, %sub3A_78 : i32
    %and3A_80 = arith.constant 28 : i32
    %and3A_81 = arith.andi %shift_right_arithmetic3A_11, %and3A_80 : i32
    %mul3A_82 = arith.constant 128 : i32
    %mul3A_83 = arith.muli %mul3A_82, %and3A_81 : i32
    %and3A_84 = arith.constant 2 : i32
    %and3A_85 = arith.andi %shift_right_arithmetic3A_11, %and3A_84 : i32
    %ne3A_86 = arith.constant 0 : i32
    %ne3A_87 = arith.cmpi ne, %and3A_85, %ne3A_86 : i32
    %sub3A_88 = arith.constant 31 : i32
    %sub3A_89 = arith.subi %sub3A_88, %shift_right_arithmetic3A_11 : i32
    %add3A_90 = arith.constant 33 : i32
    %add3A_91 = arith.addi %shift_right_arithmetic3A_11, %add3A_90 : i32
    %and3A_92 = arith.constant 28 : i32
    %and3A_93 = arith.andi %sub3A_89, %and3A_92 : i32
    %add3A_94 = arith.addi %add3A_91, %and3A_93 : i32
    %mul3A_95 = arith.constant 128 : i32
    %mul3A_96 = arith.muli %mul3A_95, %add3A_94 : i32
    %and3A_97 = arith.constant 2 : i32
    %and3A_98 = arith.andi %sub3A_89, %and3A_97 : i32
    %ne3A_99 = arith.constant 0 : i32
    %ne3A_100 = arith.cmpi ne, %and3A_98, %ne3A_99 : i32
    %sub3A_101 = arith.constant 4224 : i32
    %sub3A_102 = arith.subi %mul3A_96, %sub3A_101 : i32
    %and3A_103 = arith.constant 30 : i32
    %and3A_104 = arith.andi %shift_right_arithmetic3A_11, %and3A_103 : i32
    %mul3A_105 = arith.constant 128 : i32
    %mul3A_106 = arith.muli %mul3A_105, %and3A_104 : i32
    %and3A_107 = arith.constant 1 : i32
    %and3A_108 = arith.andi %shift_right_arithmetic3A_11, %and3A_107 : i32
    %ne3A_109 = arith.constant 0 : i32
    %ne3A_110 = arith.cmpi ne, %and3A_108, %ne3A_109 : i32
    %sub3A_111 = arith.constant 31 : i32
    %sub3A_112 = arith.subi %sub3A_111, %shift_right_arithmetic3A_11 : i32
    %add3A_113 = arith.constant 33 : i32
    %add3A_114 = arith.addi %shift_right_arithmetic3A_11, %add3A_113 : i32
    %and3A_115 = arith.constant 30 : i32
    %and3A_116 = arith.andi %sub3A_112, %and3A_115 : i32
    %add3A_117 = arith.addi %add3A_114, %and3A_116 : i32
    %mul3A_118 = arith.constant 128 : i32
    %mul3A_119 = arith.muli %mul3A_118, %add3A_117 : i32
    %and3A_120 = arith.constant 1 : i32
    %and3A_121 = arith.andi %sub3A_112, %and3A_120 : i32
    %ne3A_122 = arith.constant 0 : i32
    %ne3A_123 = arith.cmpi ne, %and3A_121, %ne3A_122 : i32
    %sub3A_124 = arith.constant 4224 : i32
    %sub3A_125 = arith.subi %mul3A_119, %sub3A_124 : i32
    %scan3A = arith.constant 0 : i32
    %scan3A_126 = arith.constant 0 : i32
    %scan3A_127 = arith.constant 16 : i32
    %scan3A_128 = arith.addi %scan3A_126, %scan3A_127 : i32
    %scan3A_129 = arith.constant 1 : i32
    scf.for %scan3A_176 = %scan3A_126 to %scan3A_128 step %scan3A_129  : i32 {
      %mul3A_177 = arith.constant 8 : i32
      %mul3A_178 = arith.muli %scan3A_176, %mul3A_177 : i32
      %add3A_179 = arith.addi %mul3A_2, %mul3A_178 : i32
      %dma_start3A = arith.constant 0 : i32
      %dma_start3A_180 = tpu.memref_slice %arg3[%add3A_179, %dma_start3A] : memref<4096x4096xf32, #tpu.memory_space<hbm>> -> memref<8x4096xf32, #tpu.memory_space<hbm>>
      %dma_start3A_181 = arith.constant 0 : i32
      %dma_start3A_182 = tpu.memref_slice %arg3[%add3A_179, %dma_start3A_181] : memref<4096x4096xf32, #tpu.memory_space<hbm>> -> memref<8x4096xf32, #tpu.memory_space<hbm>>
      tpu.enqueue_dma source(%dma_start3A_182 : memref<8x4096xf32, #tpu.memory_space<hbm>>) target(%arg8 : memref<8x4096xf32, #tpu.memory_space<vmem>>) target_semaphore(%arg11 : memref<!tpu.dma_semaphore, #tpu.memory_space<semaphore_mem>>)
      %gt3A = arith.constant 0 : i32
      %gt3A_183 = arith.cmpi sgt, %scan3A_176, %gt3A : i32
      %convert_element_type3A_184 = arith.extui %gt3A_183 : i1 to i32
      %cond3A_185 = arith.constant 0 : i32
      %cond3A_186 = arith.cmpi ne, %convert_element_type3A_184, %cond3A_185 : i32
      scf.if %cond3A_186 {
        %sub3A_427 = arith.constant 1 : i32
        %sub3A_428 = arith.subi %scan3A_176, %sub3A_427 : i32
        %mul3A_429 = arith.constant 8 : i32
        %mul3A_430 = arith.muli %sub3A_428, %mul3A_429 : i32
        %add3A_431 = arith.addi %mul3A_2, %mul3A_430 : i32
        %mul3A_432 = arith.constant 128 : i32
        %mul3A_433 = arith.muli %mul3A_432, %shift_right_arithmetic3A_11 : i32
        %dma_wait3A_434 = tpu.memref_slice %arg5[%add3A_431, %mul3A_433] : memref<4096x8192xf32, #tpu.memory_space<hbm>> -> memref<8x4224xf32, #tpu.memory_space<hbm>>
        %dma_wait3A_435 = tpu.memref_slice %arg5[%add3A_431, %mul3A_433] : memref<4096x8192xf32, #tpu.memory_space<hbm>> -> memref<8x4224xf32, #tpu.memory_space<hbm>>
        tpu.wait_dma2 semaphore(%arg13 : memref<!tpu.dma_semaphore, #tpu.memory_space<semaphore_mem>>) src(%arg7 : memref<8x4224xf32, #tpu.memory_space<vmem>>) dst(%dma_wait3A_435 : memref<8x4224xf32, #tpu.memory_space<hbm>>)
      } else {
      }
      %mul3A_187 = arith.constant 8 : i32
      %mul3A_188 = arith.muli %scan3A_176, %mul3A_187 : i32
      %add3A_189 = arith.addi %mul3A_2, %mul3A_188 : i32
      %mul3A_190 = arith.constant 128 : i32
      %mul3A_191 = arith.muli %mul3A_190, %shift_right_arithmetic3A_11 : i32
      %add3A_192 = arith.constant 0 : i32
      %add3A_193 = arith.addi %mul3A_191, %add3A_192 : i32
      %dma_start3A_194 = arith.constant 0 : i32
      %dma_start3A_195 = arith.constant 0 : i32
      %dma_start3A_196 = tpu.memref_slice %arg7[%dma_start3A_194, %dma_start3A_195] : memref<8x4224xf32, #tpu.memory_space<vmem>> -> memref<8x128xf32, #tpu.memory_space<vmem>>
      %dma_start3A_197 = tpu.memref_slice %arg2[%add3A_189, %add3A_193] : memref<4096x8192xf32, #tpu.memory_space<hbm>> -> memref<8x128xf32, #tpu.memory_space<hbm>>
      %dma_start3A_198 = arith.constant 0 : i32
      %dma_start3A_199 = arith.constant 0 : i32
      %dma_start3A_200 = tpu.memref_slice %arg7[%dma_start3A_198, %dma_start3A_199] : memref<8x4224xf32, #tpu.memory_space<vmem>> -> memref<8x128xf32, #tpu.memory_space<vmem>>
      %dma_start3A_201 = tpu.memref_slice %arg2[%add3A_189, %add3A_193] : memref<4096x8192xf32, #tpu.memory_space<hbm>> -> memref<8x128xf32, #tpu.memory_space<hbm>>
      tpu.enqueue_dma source(%dma_start3A_201 : memref<8x128xf32, #tpu.memory_space<hbm>>) target(%dma_start3A_200 : memref<8x128xf32, #tpu.memory_space<vmem>>) target_semaphore(%arg12 : memref<!tpu.dma_semaphore, #tpu.memory_space<semaphore_mem>>)
      %mul3A_202 = arith.constant 128 : i32
      %mul3A_203 = arith.muli %mul3A_202, %shift_right_arithmetic3A_11 : i32
      %add3A_204 = arith.constant 4096 : i32
      %add3A_205 = arith.addi %mul3A_203, %add3A_204 : i32
      %dma_start3A_206 = arith.constant 0 : i32
      %dma_start3A_207 = arith.constant 4096 : i32
      %dma_start3A_208 = tpu.memref_slice %arg7[%dma_start3A_206, %dma_start3A_207] : memref<8x4224xf32, #tpu.memory_space<vmem>> -> memref<8x128xf32, #tpu.memory_space<vmem>>
      %dma_start3A_209 = tpu.memref_slice %arg2[%add3A_189, %add3A_205] : memref<4096x8192xf32, #tpu.memory_space<hbm>> -> memref<8x128xf32, #tpu.memory_space<hbm>>
      %dma_start3A_210 = arith.constant 0 : i32
      %dma_start3A_211 = arith.constant 4096 : i32
      %dma_start3A_212 = tpu.memref_slice %arg7[%dma_start3A_210, %dma_start3A_211] : memref<8x4224xf32, #tpu.memory_space<vmem>> -> memref<8x128xf32, #tpu.memory_space<vmem>>
      %dma_start3A_213 = tpu.memref_slice %arg2[%add3A_189, %add3A_205] : memref<4096x8192xf32, #tpu.memory_space<hbm>> -> memref<8x128xf32, #tpu.memory_space<hbm>>
      tpu.enqueue_dma source(%dma_start3A_213 : memref<8x128xf32, #tpu.memory_space<hbm>>) target(%dma_start3A_212 : memref<8x128xf32, #tpu.memory_space<vmem>>) target_semaphore(%arg12 : memref<!tpu.dma_semaphore, #tpu.memory_space<semaphore_mem>>)
      %mul3A_214 = arith.constant 8 : i32
      %mul3A_215 = arith.muli %scan3A_176, %mul3A_214 : i32
      %add3A_216 = arith.addi %mul3A_2, %mul3A_215 : i32
      %mul3A_217 = arith.constant 128 : i32
      %mul3A_218 = arith.muli %mul3A_217, %shift_right_arithmetic3A_11 : i32
      %add3A_219 = arith.constant 0 : i32
      %add3A_220 = arith.addi %mul3A_218, %add3A_219 : i32
      %dma_wait3A_221 = arith.constant 0 : i32
      %dma_wait3A_222 = arith.constant 0 : i32
      %dma_wait3A_223 = tpu.memref_slice %arg7[%dma_wait3A_221, %dma_wait3A_222] : memref<8x4224xf32, #tpu.memory_space<vmem>> -> memref<8x128xf32, #tpu.memory_space<vmem>>
      %dma_wait3A_224 = tpu.memref_slice %arg2[%add3A_216, %add3A_220] : memref<4096x8192xf32, #tpu.memory_space<hbm>> -> memref<8x128xf32, #tpu.memory_space<hbm>>
      %dma_wait3A_225 = arith.constant 0 : i32
      %dma_wait3A_226 = arith.constant 0 : i32
      %dma_wait3A_227 = tpu.memref_slice %arg7[%dma_wait3A_225, %dma_wait3A_226] : memref<8x4224xf32, #tpu.memory_space<vmem>> -> memref<8x128xf32, #tpu.memory_space<vmem>>
      %dma_wait3A_228 = tpu.memref_slice %arg2[%add3A_216, %add3A_220] : memref<4096x8192xf32, #tpu.memory_space<hbm>> -> memref<8x128xf32, #tpu.memory_space<hbm>>
      tpu.wait_dma2 semaphore(%arg12 : memref<!tpu.dma_semaphore, #tpu.memory_space<semaphore_mem>>) src(%dma_wait3A_228 : memref<8x128xf32, #tpu.memory_space<hbm>>) dst(%dma_wait3A_227 : memref<8x128xf32, #tpu.memory_space<vmem>>)
      %mul3A_229 = arith.constant 128 : i32
      %mul3A_230 = arith.muli %mul3A_229, %shift_right_arithmetic3A_11 : i32
      %add3A_231 = arith.constant 4096 : i32
      %add3A_232 = arith.addi %mul3A_230, %add3A_231 : i32
      %dma_wait3A_233 = arith.constant 0 : i32
      %dma_wait3A_234 = arith.constant 4096 : i32
      %dma_wait3A_235 = tpu.memref_slice %arg7[%dma_wait3A_233, %dma_wait3A_234] : memref<8x4224xf32, #tpu.memory_space<vmem>> -> memref<8x128xf32, #tpu.memory_space<vmem>>
      %dma_wait3A_236 = tpu.memref_slice %arg2[%add3A_216, %add3A_232] : memref<4096x8192xf32, #tpu.memory_space<hbm>> -> memref<8x128xf32, #tpu.memory_space<hbm>>
      %dma_wait3A_237 = arith.constant 0 : i32
      %dma_wait3A_238 = arith.constant 4096 : i32
      %dma_wait3A_239 = tpu.memref_slice %arg7[%dma_wait3A_237, %dma_wait3A_238] : memref<8x4224xf32, #tpu.memory_space<vmem>> -> memref<8x128xf32, #tpu.memory_space<vmem>>
      %dma_wait3A_240 = tpu.memref_slice %arg2[%add3A_216, %add3A_232] : memref<4096x8192xf32, #tpu.memory_space<hbm>> -> memref<8x128xf32, #tpu.memory_space<hbm>>
      tpu.wait_dma2 semaphore(%arg12 : memref<!tpu.dma_semaphore, #tpu.memory_space<semaphore_mem>>) src(%dma_wait3A_240 : memref<8x128xf32, #tpu.memory_space<hbm>>) dst(%dma_wait3A_239 : memref<8x128xf32, #tpu.memory_space<vmem>>)
      %mul3A_241 = arith.constant 8 : i32
      %mul3A_242 = arith.muli %scan3A_176, %mul3A_241 : i32
      %add3A_243 = arith.addi %mul3A_2, %mul3A_242 : i32
      %dma_wait3A_244 = arith.constant 0 : i32
      %dma_wait3A_245 = tpu.memref_slice %arg3[%add3A_243, %dma_wait3A_244] : memref<4096x4096xf32, #tpu.memory_space<hbm>> -> memref<8x4096xf32, #tpu.memory_space<hbm>>
      %dma_wait3A_246 = arith.constant 0 : i32
      %dma_wait3A_247 = tpu.memref_slice %arg3[%add3A_243, %dma_wait3A_246] : memref<4096x4096xf32, #tpu.memory_space<hbm>> -> memref<8x4096xf32, #tpu.memory_space<hbm>>
      tpu.wait_dma2 semaphore(%arg11 : memref<!tpu.dma_semaphore, #tpu.memory_space<semaphore_mem>>) src(%dma_wait3A_247 : memref<8x4096xf32, #tpu.memory_space<hbm>>) dst(%arg8 : memref<8x4096xf32, #tpu.memory_space<vmem>>)
      %gt3A_248 = arith.constant 0 : i32
      %gt3A_249 = arith.cmpi sgt, %scan3A_176, %gt3A_248 : i32
      %convert_element_type3A_250 = arith.extui %gt3A_249 : i1 to i32
      %cond3A_251 = arith.constant 0 : i32
      %cond3A_252 = arith.cmpi ne, %convert_element_type3A_250, %cond3A_251 : i32
      scf.if %cond3A_252 {
        %sub3A_427 = arith.constant 1 : i32
        %sub3A_428 = arith.subi %scan3A_176, %sub3A_427 : i32
        %mul3A_429 = arith.constant 8 : i32
        %mul3A_430 = arith.muli %sub3A_428, %mul3A_429 : i32
        %add3A_431 = arith.addi %mul3A_2, %mul3A_430 : i32
        %convert_element_type3A_432 = arith.extui %ne3A_19 : i1 to i32
        %cond3A_433 = arith.constant 0 : i32
        %cond3A_434 = arith.constant 0 : i32
        %cond3A_435 = arith.cmpi ne, %convert_element_type3A_432, %cond3A_434 : i32
        scf.if %cond3A_435 {
          %dma_wait3A_472 = tpu.memref_slice %arg5[%add3A_431, %mul3A_16] : memref<4096x8192xf32, #tpu.memory_space<hbm>> -> memref<8x2048xf32, #tpu.memory_space<hbm>>
          %dma_wait3A_473 = arith.constant 0 : i32
          %dma_wait3A_474 = arith.constant 0 : i32
          %dma_wait3A_475 = tpu.memref_slice %arg9[%arg1, %cond3A_433, %dma_wait3A_473, %dma_wait3A_474] : memref<16x1x8x3968xf32, #tpu.memory_space<vmem_shared>> -> memref<1x1x8x3968xf32, #tpu.memory_space<vmem_shared>>
          %dma_wait3A_476 = tpu.memref_squeeze %dma_wait3A_475 : memref<1x1x8x3968xf32, #tpu.memory_space<vmem_shared>> -> memref<8x3968xf32, #tpu.memory_space<vmem_shared>>
          %dma_wait3A_477 = arith.constant 0 : i32
          %dma_wait3A_478 = tpu.memref_slice %dma_wait3A_476[%dma_wait3A_477, %mul3A_16] : memref<8x3968xf32, #tpu.memory_space<vmem_shared>> -> memref<8x2048xf32, #tpu.memory_space<vmem_shared>>
          tpu.wait_dma2 semaphore(%arg14 : memref<!tpu.dma_semaphore, #tpu.memory_space<semaphore_mem>>) src(%dma_wait3A_478 : memref<8x2048xf32, #tpu.memory_space<vmem_shared>>) dst(%dma_wait3A_472 : memref<8x2048xf32, #tpu.memory_space<hbm>>)
        } else {
        }
        %convert_element_type3A_436 = arith.extui %ne3A_31 : i1 to i32
        %cond3A_437 = arith.constant 0 : i32
        %cond3A_438 = arith.constant 0 : i32
        %cond3A_439 = arith.cmpi ne, %convert_element_type3A_436, %cond3A_438 : i32
        scf.if %cond3A_439 {
          %dma_wait3A_472 = tpu.memref_slice %arg5[%add3A_431, %mul3A_27] : memref<4096x8192xf32, #tpu.memory_space<hbm>> -> memref<8x2048xf32, #tpu.memory_space<hbm>>
          %dma_wait3A_473 = arith.constant 0 : i32
          %dma_wait3A_474 = arith.constant 0 : i32
          %dma_wait3A_475 = tpu.memref_slice %arg9[%arg1, %cond3A_437, %dma_wait3A_473, %dma_wait3A_474] : memref<16x1x8x3968xf32, #tpu.memory_space<vmem_shared>> -> memref<1x1x8x3968xf32, #tpu.memory_space<vmem_shared>>
          %dma_wait3A_476 = tpu.memref_squeeze %dma_wait3A_475 : memref<1x1x8x3968xf32, #tpu.memory_space<vmem_shared>> -> memref<8x3968xf32, #tpu.memory_space<vmem_shared>>
          %dma_wait3A_477 = arith.constant 0 : i32
          %dma_wait3A_478 = tpu.memref_slice %dma_wait3A_476[%dma_wait3A_477, %sub3A_33] : memref<8x3968xf32, #tpu.memory_space<vmem_shared>> -> memref<8x2048xf32, #tpu.memory_space<vmem_shared>>
          tpu.wait_dma2 semaphore(%arg14 : memref<!tpu.dma_semaphore, #tpu.memory_space<semaphore_mem>>) src(%dma_wait3A_478 : memref<8x2048xf32, #tpu.memory_space<vmem_shared>>) dst(%dma_wait3A_472 : memref<8x2048xf32, #tpu.memory_space<hbm>>)
        } else {
        }
        %convert_element_type3A_440 = arith.extui %ne3A_41 : i1 to i32
        %cond3A_441 = arith.constant 0 : i32
        %cond3A_442 = arith.constant 0 : i32
        %cond3A_443 = arith.cmpi ne, %convert_element_type3A_440, %cond3A_442 : i32
        scf.if %cond3A_443 {
          %dma_wait3A_472 = tpu.memref_slice %arg5[%add3A_431, %mul3A_37] : memref<4096x8192xf32, #tpu.memory_space<hbm>> -> memref<8x1024xf32, #tpu.memory_space<hbm>>
          %dma_wait3A_473 = arith.constant 0 : i32
          %dma_wait3A_474 = arith.constant 0 : i32
          %dma_wait3A_475 = tpu.memref_slice %arg9[%arg1, %cond3A_441, %dma_wait3A_473, %dma_wait3A_474] : memref<16x1x8x3968xf32, #tpu.memory_space<vmem_shared>> -> memref<1x1x8x3968xf32, #tpu.memory_space<vmem_shared>>
          %dma_wait3A_476 = tpu.memref_squeeze %dma_wait3A_475 : memref<1x1x8x3968xf32, #tpu.memory_space<vmem_shared>> -> memref<8x3968xf32, #tpu.memory_space<vmem_shared>>
          %dma_wait3A_477 = arith.constant 0 : i32
          %dma_wait3A_478 = tpu.memref_slice %dma_wait3A_476[%dma_wait3A_477, %mul3A_37] : memref<8x3968xf32, #tpu.memory_space<vmem_shared>> -> memref<8x1024xf32, #tpu.memory_space<vmem_shared>>
          tpu.wait_dma2 semaphore(%arg14 : memref<!tpu.dma_semaphore, #tpu.memory_space<semaphore_mem>>) src(%dma_wait3A_478 : memref<8x1024xf32, #tpu.memory_space<vmem_shared>>) dst(%dma_wait3A_472 : memref<8x1024xf32, #tpu.memory_space<hbm>>)
        } else {
        }
        %convert_element_type3A_444 = arith.extui %ne3A_54 : i1 to i32
        %cond3A_445 = arith.constant 0 : i32
        %cond3A_446 = arith.constant 0 : i32
        %cond3A_447 = arith.cmpi ne, %convert_element_type3A_444, %cond3A_446 : i32
        scf.if %cond3A_447 {
          %dma_wait3A_472 = tpu.memref_slice %arg5[%add3A_431, %mul3A_50] : memref<4096x8192xf32, #tpu.memory_space<hbm>> -> memref<8x1024xf32, #tpu.memory_space<hbm>>
          %dma_wait3A_473 = arith.constant 0 : i32
          %dma_wait3A_474 = arith.constant 0 : i32
          %dma_wait3A_475 = tpu.memref_slice %arg9[%arg1, %cond3A_445, %dma_wait3A_473, %dma_wait3A_474] : memref<16x1x8x3968xf32, #tpu.memory_space<vmem_shared>> -> memref<1x1x8x3968xf32, #tpu.memory_space<vmem_shared>>
          %dma_wait3A_476 = tpu.memref_squeeze %dma_wait3A_475 : memref<1x1x8x3968xf32, #tpu.memory_space<vmem_shared>> -> memref<8x3968xf32, #tpu.memory_space<vmem_shared>>
          %dma_wait3A_477 = arith.constant 0 : i32
          %dma_wait3A_478 = tpu.memref_slice %dma_wait3A_476[%dma_wait3A_477, %sub3A_56] : memref<8x3968xf32, #tpu.memory_space<vmem_shared>> -> memref<8x1024xf32, #tpu.memory_space<vmem_shared>>
          tpu.wait_dma2 semaphore(%arg14 : memref<!tpu.dma_semaphore, #tpu.memory_space<semaphore_mem>>) src(%dma_wait3A_478 : memref<8x1024xf32, #tpu.memory_space<vmem_shared>>) dst(%dma_wait3A_472 : memref<8x1024xf32, #tpu.memory_space<hbm>>)
        } else {
        }
        %convert_element_type3A_448 = arith.extui %ne3A_64 : i1 to i32
        %cond3A_449 = arith.constant 0 : i32
        %cond3A_450 = arith.constant 0 : i32
        %cond3A_451 = arith.cmpi ne, %convert_element_type3A_448, %cond3A_450 : i32
        scf.if %cond3A_451 {
          %dma_wait3A_472 = tpu.memref_slice %arg5[%add3A_431, %mul3A_60] : memref<4096x8192xf32, #tpu.memory_space<hbm>> -> memref<8x512xf32, #tpu.memory_space<hbm>>
          %dma_wait3A_473 = arith.constant 0 : i32
          %dma_wait3A_474 = arith.constant 0 : i32
          %dma_wait3A_475 = tpu.memref_slice %arg9[%arg1, %cond3A_449, %dma_wait3A_473, %dma_wait3A_474] : memref<16x1x8x3968xf32, #tpu.memory_space<vmem_shared>> -> memref<1x1x8x3968xf32, #tpu.memory_space<vmem_shared>>
          %dma_wait3A_476 = tpu.memref_squeeze %dma_wait3A_475 : memref<1x1x8x3968xf32, #tpu.memory_space<vmem_shared>> -> memref<8x3968xf32, #tpu.memory_space<vmem_shared>>
          %dma_wait3A_477 = arith.constant 0 : i32
          %dma_wait3A_478 = tpu.memref_slice %dma_wait3A_476[%dma_wait3A_477, %mul3A_60] : memref<8x3968xf32, #tpu.memory_space<vmem_shared>> -> memref<8x512xf32, #tpu.memory_space<vmem_shared>>
          tpu.wait_dma2 semaphore(%arg14 : memref<!tpu.dma_semaphore, #tpu.memory_space<semaphore_mem>>) src(%dma_wait3A_478 : memref<8x512xf32, #tpu.memory_space<vmem_shared>>) dst(%dma_wait3A_472 : memref<8x512xf32, #tpu.memory_space<hbm>>)
        } else {
        }
        %convert_element_type3A_452 = arith.extui %ne3A_77 : i1 to i32
        %cond3A_453 = arith.constant 0 : i32
        %cond3A_454 = arith.constant 0 : i32
        %cond3A_455 = arith.cmpi ne, %convert_element_type3A_452, %cond3A_454 : i32
        scf.if %cond3A_455 {
          %dma_wait3A_472 = tpu.memref_slice %arg5[%add3A_431, %mul3A_73] : memref<4096x8192xf32, #tpu.memory_space<hbm>> -> memref<8x512xf32, #tpu.memory_space<hbm>>
          %dma_wait3A_473 = arith.constant 0 : i32
          %dma_wait3A_474 = arith.constant 0 : i32
          %dma_wait3A_475 = tpu.memref_slice %arg9[%arg1, %cond3A_453, %dma_wait3A_473, %dma_wait3A_474] : memref<16x1x8x3968xf32, #tpu.memory_space<vmem_shared>> -> memref<1x1x8x3968xf32, #tpu.memory_space<vmem_shared>>
          %dma_wait3A_476 = tpu.memref_squeeze %dma_wait3A_475 : memref<1x1x8x3968xf32, #tpu.memory_space<vmem_shared>> -> memref<8x3968xf32, #tpu.memory_space<vmem_shared>>
          %dma_wait3A_477 = arith.constant 0 : i32
          %dma_wait3A_478 = tpu.memref_slice %dma_wait3A_476[%dma_wait3A_477, %sub3A_79] : memref<8x3968xf32, #tpu.memory_space<vmem_shared>> -> memref<8x512xf32, #tpu.memory_space<vmem_shared>>
          tpu.wait_dma2 semaphore(%arg14 : memref<!tpu.dma_semaphore, #tpu.memory_space<semaphore_mem>>) src(%dma_wait3A_478 : memref<8x512xf32, #tpu.memory_space<vmem_shared>>) dst(%dma_wait3A_472 : memref<8x512xf32, #tpu.memory_space<hbm>>)
        } else {
        }
        %convert_element_type3A_456 = arith.extui %ne3A_87 : i1 to i32
        %cond3A_457 = arith.constant 0 : i32
        %cond3A_458 = arith.constant 0 : i32
        %cond3A_459 = arith.cmpi ne, %convert_element_type3A_456, %cond3A_458 : i32
        scf.if %cond3A_459 {
          %dma_wait3A_472 = tpu.memref_slice %arg5[%add3A_431, %mul3A_83] : memref<4096x8192xf32, #tpu.memory_space<hbm>> -> memref<8x256xf32, #tpu.memory_space<hbm>>
          %dma_wait3A_473 = arith.constant 0 : i32
          %dma_wait3A_474 = arith.constant 0 : i32
          %dma_wait3A_475 = tpu.memref_slice %arg9[%arg1, %cond3A_457, %dma_wait3A_473, %dma_wait3A_474] : memref<16x1x8x3968xf32, #tpu.memory_space<vmem_shared>> -> memref<1x1x8x3968xf32, #tpu.memory_space<vmem_shared>>
          %dma_wait3A_476 = tpu.memref_squeeze %dma_wait3A_475 : memref<1x1x8x3968xf32, #tpu.memory_space<vmem_shared>> -> memref<8x3968xf32, #tpu.memory_space<vmem_shared>>
          %dma_wait3A_477 = arith.constant 0 : i32
          %dma_wait3A_478 = tpu.memref_slice %dma_wait3A_476[%dma_wait3A_477, %mul3A_83] : memref<8x3968xf32, #tpu.memory_space<vmem_shared>> -> memref<8x256xf32, #tpu.memory_space<vmem_shared>>
          tpu.wait_dma2 semaphore(%arg14 : memref<!tpu.dma_semaphore, #tpu.memory_space<semaphore_mem>>) src(%dma_wait3A_478 : memref<8x256xf32, #tpu.memory_space<vmem_shared>>) dst(%dma_wait3A_472 : memref<8x256xf32, #tpu.memory_space<hbm>>)
        } else {
        }
        %convert_element_type3A_460 = arith.extui %ne3A_100 : i1 to i32
        %cond3A_461 = arith.constant 0 : i32
        %cond3A_462 = arith.constant 0 : i32
        %cond3A_463 = arith.cmpi ne, %convert_element_type3A_460, %cond3A_462 : i32
        scf.if %cond3A_463 {
          %dma_wait3A_472 = tpu.memref_slice %arg5[%add3A_431, %mul3A_96] : memref<4096x8192xf32, #tpu.memory_space<hbm>> -> memref<8x256xf32, #tpu.memory_space<hbm>>
          %dma_wait3A_473 = arith.constant 0 : i32
          %dma_wait3A_474 = arith.constant 0 : i32
          %dma_wait3A_475 = tpu.memref_slice %arg9[%arg1, %cond3A_461, %dma_wait3A_473, %dma_wait3A_474] : memref<16x1x8x3968xf32, #tpu.memory_space<vmem_shared>> -> memref<1x1x8x3968xf32, #tpu.memory_space<vmem_shared>>
          %dma_wait3A_476 = tpu.memref_squeeze %dma_wait3A_475 : memref<1x1x8x3968xf32, #tpu.memory_space<vmem_shared>> -> memref<8x3968xf32, #tpu.memory_space<vmem_shared>>
          %dma_wait3A_477 = arith.constant 0 : i32
          %dma_wait3A_478 = tpu.memref_slice %dma_wait3A_476[%dma_wait3A_477, %sub3A_102] : memref<8x3968xf32, #tpu.memory_space<vmem_shared>> -> memref<8x256xf32, #tpu.memory_space<vmem_shared>>
          tpu.wait_dma2 semaphore(%arg14 : memref<!tpu.dma_semaphore, #tpu.memory_space<semaphore_mem>>) src(%dma_wait3A_478 : memref<8x256xf32, #tpu.memory_space<vmem_shared>>) dst(%dma_wait3A_472 : memref<8x256xf32, #tpu.memory_space<hbm>>)
        } else {
        }
        %convert_element_type3A_464 = arith.extui %ne3A_110 : i1 to i32
        %cond3A_465 = arith.constant 0 : i32
        %cond3A_466 = arith.constant 0 : i32
        %cond3A_467 = arith.cmpi ne, %convert_element_type3A_464, %cond3A_466 : i32
        scf.if %cond3A_467 {
          %dma_wait3A_472 = tpu.memref_slice %arg5[%add3A_431, %mul3A_106] : memref<4096x8192xf32, #tpu.memory_space<hbm>> -> memref<8x128xf32, #tpu.memory_space<hbm>>
          %dma_wait3A_473 = arith.constant 0 : i32
          %dma_wait3A_474 = arith.constant 0 : i32
          %dma_wait3A_475 = tpu.memref_slice %arg9[%arg1, %cond3A_465, %dma_wait3A_473, %dma_wait3A_474] : memref<16x1x8x3968xf32, #tpu.memory_space<vmem_shared>> -> memref<1x1x8x3968xf32, #tpu.memory_space<vmem_shared>>
          %dma_wait3A_476 = tpu.memref_squeeze %dma_wait3A_475 : memref<1x1x8x3968xf32, #tpu.memory_space<vmem_shared>> -> memref<8x3968xf32, #tpu.memory_space<vmem_shared>>
          %dma_wait3A_477 = arith.constant 0 : i32
          %dma_wait3A_478 = tpu.memref_slice %dma_wait3A_476[%dma_wait3A_477, %mul3A_106] : memref<8x3968xf32, #tpu.memory_space<vmem_shared>> -> memref<8x128xf32, #tpu.memory_space<vmem_shared>>
          tpu.wait_dma2 semaphore(%arg14 : memref<!tpu.dma_semaphore, #tpu.memory_space<semaphore_mem>>) src(%dma_wait3A_478 : memref<8x128xf32, #tpu.memory_space<vmem_shared>>) dst(%dma_wait3A_472 : memref<8x128xf32, #tpu.memory_space<hbm>>)
        } else {
        }
        %convert_element_type3A_468 = arith.extui %ne3A_123 : i1 to i32
        %cond3A_469 = arith.constant 0 : i32
        %cond3A_470 = arith.constant 0 : i32
        %cond3A_471 = arith.cmpi ne, %convert_element_type3A_468, %cond3A_470 : i32
        scf.if %cond3A_471 {
          %dma_wait3A_472 = tpu.memref_slice %arg5[%add3A_431, %mul3A_119] : memref<4096x8192xf32, #tpu.memory_space<hbm>> -> memref<8x128xf32, #tpu.memory_space<hbm>>
          %dma_wait3A_473 = arith.constant 0 : i32
          %dma_wait3A_474 = arith.constant 0 : i32
          %dma_wait3A_475 = tpu.memref_slice %arg9[%arg1, %cond3A_469, %dma_wait3A_473, %dma_wait3A_474] : memref<16x1x8x3968xf32, #tpu.memory_space<vmem_shared>> -> memref<1x1x8x3968xf32, #tpu.memory_space<vmem_shared>>
          %dma_wait3A_476 = tpu.memref_squeeze %dma_wait3A_475 : memref<1x1x8x3968xf32, #tpu.memory_space<vmem_shared>> -> memref<8x3968xf32, #tpu.memory_space<vmem_shared>>
          %dma_wait3A_477 = arith.constant 0 : i32
          %dma_wait3A_478 = tpu.memref_slice %dma_wait3A_476[%dma_wait3A_477, %sub3A_125] : memref<8x3968xf32, #tpu.memory_space<vmem_shared>> -> memref<8x128xf32, #tpu.memory_space<vmem_shared>>
          tpu.wait_dma2 semaphore(%arg14 : memref<!tpu.dma_semaphore, #tpu.memory_space<semaphore_mem>>) src(%dma_wait3A_478 : memref<8x128xf32, #tpu.memory_space<vmem_shared>>) dst(%dma_wait3A_472 : memref<8x128xf32, #tpu.memory_space<hbm>>)
        } else {
        }
      } else {
      }
      %mul3A_253 = arith.constant 8 : i32
      %mul3A_254 = arith.muli %scan3A_176, %mul3A_253 : i32
      %add3A_255 = arith.addi %mul3A_2, %mul3A_254 : i32
      %convert_element_type3A_256 = arith.extui %ne3A_19 : i1 to i32
      %cond3A_257 = arith.constant 0 : i32
      %cond3A_258 = arith.constant 0 : i32
      %cond3A_259 = arith.cmpi ne, %convert_element_type3A_256, %cond3A_258 : i32
      scf.if %cond3A_259 {
        %dma_start3A_427 = arith.constant 0 : i32
        %dma_start3A_428 = arith.constant 0 : i32
        %dma_start3A_429 = tpu.memref_slice %arg9[%arg1, %cond3A_257, %dma_start3A_427, %dma_start3A_428] : memref<16x1x8x3968xf32, #tpu.memory_space<vmem_shared>> -> memref<1x1x8x3968xf32, #tpu.memory_space<vmem_shared>>
        %dma_start3A_430 = tpu.memref_squeeze %dma_start3A_429 : memref<1x1x8x3968xf32, #tpu.memory_space<vmem_shared>> -> memref<8x3968xf32, #tpu.memory_space<vmem_shared>>
        %dma_start3A_431 = arith.constant 0 : i32
        %dma_start3A_432 = tpu.memref_slice %dma_start3A_430[%dma_start3A_431, %mul3A_16] : memref<8x3968xf32, #tpu.memory_space<vmem_shared>> -> memref<8x2048xf32, #tpu.memory_space<vmem_shared>>
        %dma_start3A_433 = tpu.memref_slice %arg2[%add3A_255, %mul3A_16] : memref<4096x8192xf32, #tpu.memory_space<hbm>> -> memref<8x2048xf32, #tpu.memory_space<hbm>>
        tpu.enqueue_dma source(%dma_start3A_433 : memref<8x2048xf32, #tpu.memory_space<hbm>>) target(%dma_start3A_432 : memref<8x2048xf32, #tpu.memory_space<vmem_shared>>) target_semaphore(%arg10 : memref<!tpu.dma_semaphore, #tpu.memory_space<semaphore_mem>>)
      } else {
      }
      %convert_element_type3A_260 = arith.extui %ne3A_31 : i1 to i32
      %cond3A_261 = arith.constant 0 : i32
      %cond3A_262 = arith.constant 0 : i32
      %cond3A_263 = arith.cmpi ne, %convert_element_type3A_260, %cond3A_262 : i32
      scf.if %cond3A_263 {
        %dma_start3A_427 = arith.constant 0 : i32
        %dma_start3A_428 = arith.constant 0 : i32
        %dma_start3A_429 = tpu.memref_slice %arg9[%arg1, %cond3A_261, %dma_start3A_427, %dma_start3A_428] : memref<16x1x8x3968xf32, #tpu.memory_space<vmem_shared>> -> memref<1x1x8x3968xf32, #tpu.memory_space<vmem_shared>>
        %dma_start3A_430 = tpu.memref_squeeze %dma_start3A_429 : memref<1x1x8x3968xf32, #tpu.memory_space<vmem_shared>> -> memref<8x3968xf32, #tpu.memory_space<vmem_shared>>
        %dma_start3A_431 = arith.constant 0 : i32
        %dma_start3A_432 = tpu.memref_slice %dma_start3A_430[%dma_start3A_431, %sub3A_33] : memref<8x3968xf32, #tpu.memory_space<vmem_shared>> -> memref<8x2048xf32, #tpu.memory_space<vmem_shared>>
        %dma_start3A_433 = tpu.memref_slice %arg2[%add3A_255, %mul3A_27] : memref<4096x8192xf32, #tpu.memory_space<hbm>> -> memref<8x2048xf32, #tpu.memory_space<hbm>>
        tpu.enqueue_dma source(%dma_start3A_433 : memref<8x2048xf32, #tpu.memory_space<hbm>>) target(%dma_start3A_432 : memref<8x2048xf32, #tpu.memory_space<vmem_shared>>) target_semaphore(%arg10 : memref<!tpu.dma_semaphore, #tpu.memory_space<semaphore_mem>>)
      } else {
      }
      %convert_element_type3A_264 = arith.extui %ne3A_41 : i1 to i32
      %cond3A_265 = arith.constant 0 : i32
      %cond3A_266 = arith.constant 0 : i32
      %cond3A_267 = arith.cmpi ne, %convert_element_type3A_264, %cond3A_266 : i32
      scf.if %cond3A_267 {
        %dma_start3A_427 = arith.constant 0 : i32
        %dma_start3A_428 = arith.constant 0 : i32
        %dma_start3A_429 = tpu.memref_slice %arg9[%arg1, %cond3A_265, %dma_start3A_427, %dma_start3A_428] : memref<16x1x8x3968xf32, #tpu.memory_space<vmem_shared>> -> memref<1x1x8x3968xf32, #tpu.memory_space<vmem_shared>>
        %dma_start3A_430 = tpu.memref_squeeze %dma_start3A_429 : memref<1x1x8x3968xf32, #tpu.memory_space<vmem_shared>> -> memref<8x3968xf32, #tpu.memory_space<vmem_shared>>
        %dma_start3A_431 = arith.constant 0 : i32
        %dma_start3A_432 = tpu.memref_slice %dma_start3A_430[%dma_start3A_431, %mul3A_37] : memref<8x3968xf32, #tpu.memory_space<vmem_shared>> -> memref<8x1024xf32, #tpu.memory_space<vmem_shared>>
        %dma_start3A_433 = tpu.memref_slice %arg2[%add3A_255, %mul3A_37] : memref<4096x8192xf32, #tpu.memory_space<hbm>> -> memref<8x1024xf32, #tpu.memory_space<hbm>>
        tpu.enqueue_dma source(%dma_start3A_433 : memref<8x1024xf32, #tpu.memory_space<hbm>>) target(%dma_start3A_432 : memref<8x1024xf32, #tpu.memory_space<vmem_shared>>) target_semaphore(%arg10 : memref<!tpu.dma_semaphore, #tpu.memory_space<semaphore_mem>>)
      } else {
      }
      %convert_element_type3A_268 = arith.extui %ne3A_54 : i1 to i32
      %cond3A_269 = arith.constant 0 : i32
      %cond3A_270 = arith.constant 0 : i32
      %cond3A_271 = arith.cmpi ne, %convert_element_type3A_268, %cond3A_270 : i32
      scf.if %cond3A_271 {
        %dma_start3A_427 = arith.constant 0 : i32
        %dma_start3A_428 = arith.constant 0 : i32
        %dma_start3A_429 = tpu.memref_slice %arg9[%arg1, %cond3A_269, %dma_start3A_427, %dma_start3A_428] : memref<16x1x8x3968xf32, #tpu.memory_space<vmem_shared>> -> memref<1x1x8x3968xf32, #tpu.memory_space<vmem_shared>>
        %dma_start3A_430 = tpu.memref_squeeze %dma_start3A_429 : memref<1x1x8x3968xf32, #tpu.memory_space<vmem_shared>> -> memref<8x3968xf32, #tpu.memory_space<vmem_shared>>
        %dma_start3A_431 = arith.constant 0 : i32
        %dma_start3A_432 = tpu.memref_slice %dma_start3A_430[%dma_start3A_431, %sub3A_56] : memref<8x3968xf32, #tpu.memory_space<vmem_shared>> -> memref<8x1024xf32, #tpu.memory_space<vmem_shared>>
        %dma_start3A_433 = tpu.memref_slice %arg2[%add3A_255, %mul3A_50] : memref<4096x8192xf32, #tpu.memory_space<hbm>> -> memref<8x1024xf32, #tpu.memory_space<hbm>>
        tpu.enqueue_dma source(%dma_start3A_433 : memref<8x1024xf32, #tpu.memory_space<hbm>>) target(%dma_start3A_432 : memref<8x1024xf32, #tpu.memory_space<vmem_shared>>) target_semaphore(%arg10 : memref<!tpu.dma_semaphore, #tpu.memory_space<semaphore_mem>>)
      } else {
      }
      %convert_element_type3A_272 = arith.extui %ne3A_64 : i1 to i32
      %cond3A_273 = arith.constant 0 : i32
      %cond3A_274 = arith.constant 0 : i32
      %cond3A_275 = arith.cmpi ne, %convert_element_type3A_272, %cond3A_274 : i32
      scf.if %cond3A_275 {
        %dma_start3A_427 = arith.constant 0 : i32
        %dma_start3A_428 = arith.constant 0 : i32
        %dma_start3A_429 = tpu.memref_slice %arg9[%arg1, %cond3A_273, %dma_start3A_427, %dma_start3A_428] : memref<16x1x8x3968xf32, #tpu.memory_space<vmem_shared>> -> memref<1x1x8x3968xf32, #tpu.memory_space<vmem_shared>>
        %dma_start3A_430 = tpu.memref_squeeze %dma_start3A_429 : memref<1x1x8x3968xf32, #tpu.memory_space<vmem_shared>> -> memref<8x3968xf32, #tpu.memory_space<vmem_shared>>
        %dma_start3A_431 = arith.constant 0 : i32
        %dma_start3A_432 = tpu.memref_slice %dma_start3A_430[%dma_start3A_431, %mul3A_60] : memref<8x3968xf32, #tpu.memory_space<vmem_shared>> -> memref<8x512xf32, #tpu.memory_space<vmem_shared>>
        %dma_start3A_433 = tpu.memref_slice %arg2[%add3A_255, %mul3A_60] : memref<4096x8192xf32, #tpu.memory_space<hbm>> -> memref<8x512xf32, #tpu.memory_space<hbm>>
        tpu.enqueue_dma source(%dma_start3A_433 : memref<8x512xf32, #tpu.memory_space<hbm>>) target(%dma_start3A_432 : memref<8x512xf32, #tpu.memory_space<vmem_shared>>) target_semaphore(%arg10 : memref<!tpu.dma_semaphore, #tpu.memory_space<semaphore_mem>>)
      } else {
      }
      %convert_element_type3A_276 = arith.extui %ne3A_77 : i1 to i32
      %cond3A_277 = arith.constant 0 : i32
      %cond3A_278 = arith.constant 0 : i32
      %cond3A_279 = arith.cmpi ne, %convert_element_type3A_276, %cond3A_278 : i32
      scf.if %cond3A_279 {
        %dma_start3A_427 = arith.constant 0 : i32
        %dma_start3A_428 = arith.constant 0 : i32
        %dma_start3A_429 = tpu.memref_slice %arg9[%arg1, %cond3A_277, %dma_start3A_427, %dma_start3A_428] : memref<16x1x8x3968xf32, #tpu.memory_space<vmem_shared>> -> memref<1x1x8x3968xf32, #tpu.memory_space<vmem_shared>>
        %dma_start3A_430 = tpu.memref_squeeze %dma_start3A_429 : memref<1x1x8x3968xf32, #tpu.memory_space<vmem_shared>> -> memref<8x3968xf32, #tpu.memory_space<vmem_shared>>
        %dma_start3A_431 = arith.constant 0 : i32
        %dma_start3A_432 = tpu.memref_slice %dma_start3A_430[%dma_start3A_431, %sub3A_79] : memref<8x3968xf32, #tpu.memory_space<vmem_shared>> -> memref<8x512xf32, #tpu.memory_space<vmem_shared>>
        %dma_start3A_433 = tpu.memref_slice %arg2[%add3A_255, %mul3A_73] : memref<4096x8192xf32, #tpu.memory_space<hbm>> -> memref<8x512xf32, #tpu.memory_space<hbm>>
        tpu.enqueue_dma source(%dma_start3A_433 : memref<8x512xf32, #tpu.memory_space<hbm>>) target(%dma_start3A_432 : memref<8x512xf32, #tpu.memory_space<vmem_shared>>) target_semaphore(%arg10 : memref<!tpu.dma_semaphore, #tpu.memory_space<semaphore_mem>>)
      } else {
      }
      %convert_element_type3A_280 = arith.extui %ne3A_87 : i1 to i32
      %cond3A_281 = arith.constant 0 : i32
      %cond3A_282 = arith.constant 0 : i32
      %cond3A_283 = arith.cmpi ne, %convert_element_type3A_280, %cond3A_282 : i32
      scf.if %cond3A_283 {
        %dma_start3A_427 = arith.constant 0 : i32
        %dma_start3A_428 = arith.constant 0 : i32
        %dma_start3A_429 = tpu.memref_slice %arg9[%arg1, %cond3A_281, %dma_start3A_427, %dma_start3A_428] : memref<16x1x8x3968xf32, #tpu.memory_space<vmem_shared>> -> memref<1x1x8x3968xf32, #tpu.memory_space<vmem_shared>>
        %dma_start3A_430 = tpu.memref_squeeze %dma_start3A_429 : memref<1x1x8x3968xf32, #tpu.memory_space<vmem_shared>> -> memref<8x3968xf32, #tpu.memory_space<vmem_shared>>
        %dma_start3A_431 = arith.constant 0 : i32
        %dma_start3A_432 = tpu.memref_slice %dma_start3A_430[%dma_start3A_431, %mul3A_83] : memref<8x3968xf32, #tpu.memory_space<vmem_shared>> -> memref<8x256xf32, #tpu.memory_space<vmem_shared>>
        %dma_start3A_433 = tpu.memref_slice %arg2[%add3A_255, %mul3A_83] : memref<4096x8192xf32, #tpu.memory_space<hbm>> -> memref<8x256xf32, #tpu.memory_space<hbm>>
        tpu.enqueue_dma source(%dma_start3A_433 : memref<8x256xf32, #tpu.memory_space<hbm>>) target(%dma_start3A_432 : memref<8x256xf32, #tpu.memory_space<vmem_shared>>) target_semaphore(%arg10 : memref<!tpu.dma_semaphore, #tpu.memory_space<semaphore_mem>>)
      } else {
      }
      %convert_element_type3A_284 = arith.extui %ne3A_100 : i1 to i32
      %cond3A_285 = arith.constant 0 : i32
      %cond3A_286 = arith.constant 0 : i32
      %cond3A_287 = arith.cmpi ne, %convert_element_type3A_284, %cond3A_286 : i32
      scf.if %cond3A_287 {
        %dma_start3A_427 = arith.constant 0 : i32
        %dma_start3A_428 = arith.constant 0 : i32
        %dma_start3A_429 = tpu.memref_slice %arg9[%arg1, %cond3A_285, %dma_start3A_427, %dma_start3A_428] : memref<16x1x8x3968xf32, #tpu.memory_space<vmem_shared>> -> memref<1x1x8x3968xf32, #tpu.memory_space<vmem_shared>>
        %dma_start3A_430 = tpu.memref_squeeze %dma_start3A_429 : memref<1x1x8x3968xf32, #tpu.memory_space<vmem_shared>> -> memref<8x3968xf32, #tpu.memory_space<vmem_shared>>
        %dma_start3A_431 = arith.constant 0 : i32
        %dma_start3A_432 = tpu.memref_slice %dma_start3A_430[%dma_start3A_431, %sub3A_102] : memref<8x3968xf32, #tpu.memory_space<vmem_shared>> -> memref<8x256xf32, #tpu.memory_space<vmem_shared>>
        %dma_start3A_433 = tpu.memref_slice %arg2[%add3A_255, %mul3A_96] : memref<4096x8192xf32, #tpu.memory_space<hbm>> -> memref<8x256xf32, #tpu.memory_space<hbm>>
        tpu.enqueue_dma source(%dma_start3A_433 : memref<8x256xf32, #tpu.memory_space<hbm>>) target(%dma_start3A_432 : memref<8x256xf32, #tpu.memory_space<vmem_shared>>) target_semaphore(%arg10 : memref<!tpu.dma_semaphore, #tpu.memory_space<semaphore_mem>>)
      } else {
      }
      %convert_element_type3A_288 = arith.extui %ne3A_110 : i1 to i32
      %cond3A_289 = arith.constant 0 : i32
      %cond3A_290 = arith.constant 0 : i32
      %cond3A_291 = arith.cmpi ne, %convert_element_type3A_288, %cond3A_290 : i32
      scf.if %cond3A_291 {
        %dma_start3A_427 = arith.constant 0 : i32
        %dma_start3A_428 = arith.constant 0 : i32
        %dma_start3A_429 = tpu.memref_slice %arg9[%arg1, %cond3A_289, %dma_start3A_427, %dma_start3A_428] : memref<16x1x8x3968xf32, #tpu.memory_space<vmem_shared>> -> memref<1x1x8x3968xf32, #tpu.memory_space<vmem_shared>>
        %dma_start3A_430 = tpu.memref_squeeze %dma_start3A_429 : memref<1x1x8x3968xf32, #tpu.memory_space<vmem_shared>> -> memref<8x3968xf32, #tpu.memory_space<vmem_shared>>
        %dma_start3A_431 = arith.constant 0 : i32
        %dma_start3A_432 = tpu.memref_slice %dma_start3A_430[%dma_start3A_431, %mul3A_106] : memref<8x3968xf32, #tpu.memory_space<vmem_shared>> -> memref<8x128xf32, #tpu.memory_space<vmem_shared>>
        %dma_start3A_433 = tpu.memref_slice %arg2[%add3A_255, %mul3A_106] : memref<4096x8192xf32, #tpu.memory_space<hbm>> -> memref<8x128xf32, #tpu.memory_space<hbm>>
        tpu.enqueue_dma source(%dma_start3A_433 : memref<8x128xf32, #tpu.memory_space<hbm>>) target(%dma_start3A_432 : memref<8x128xf32, #tpu.memory_space<vmem_shared>>) target_semaphore(%arg10 : memref<!tpu.dma_semaphore, #tpu.memory_space<semaphore_mem>>)
      } else {
      }
      %convert_element_type3A_292 = arith.extui %ne3A_123 : i1 to i32
      %cond3A_293 = arith.constant 0 : i32
      %cond3A_294 = arith.constant 0 : i32
      %cond3A_295 = arith.cmpi ne, %convert_element_type3A_292, %cond3A_294 : i32
      scf.if %cond3A_295 {
        %dma_start3A_427 = arith.constant 0 : i32
        %dma_start3A_428 = arith.constant 0 : i32
        %dma_start3A_429 = tpu.memref_slice %arg9[%arg1, %cond3A_293, %dma_start3A_427, %dma_start3A_428] : memref<16x1x8x3968xf32, #tpu.memory_space<vmem_shared>> -> memref<1x1x8x3968xf32, #tpu.memory_space<vmem_shared>>
        %dma_start3A_430 = tpu.memref_squeeze %dma_start3A_429 : memref<1x1x8x3968xf32, #tpu.memory_space<vmem_shared>> -> memref<8x3968xf32, #tpu.memory_space<vmem_shared>>
        %dma_start3A_431 = arith.constant 0 : i32
        %dma_start3A_432 = tpu.memref_slice %dma_start3A_430[%dma_start3A_431, %sub3A_125] : memref<8x3968xf32, #tpu.memory_space<vmem_shared>> -> memref<8x128xf32, #tpu.memory_space<vmem_shared>>
        %dma_start3A_433 = tpu.memref_slice %arg2[%add3A_255, %mul3A_119] : memref<4096x8192xf32, #tpu.memory_space<hbm>> -> memref<8x128xf32, #tpu.memory_space<hbm>>
        tpu.enqueue_dma source(%dma_start3A_433 : memref<8x128xf32, #tpu.memory_space<hbm>>) target(%dma_start3A_432 : memref<8x128xf32, #tpu.memory_space<vmem_shared>>) target_semaphore(%arg10 : memref<!tpu.dma_semaphore, #tpu.memory_space<semaphore_mem>>)
      } else {
      }
      %broadcast_in_dim3A = arith.constant 0 : i32
      %broadcast_in_dim3A_296 = vector.broadcast %broadcast_in_dim3A : i32 to vector<16xi32>
      %parallel_loop3A = arith.constant 0 : i32
      %parallel_loop3A_297 = arith.constant 4096 : i32
      %parallel_loop3A_298 = arith.constant 16 : i32
      scf.for %parallel_loop3A_427 = %parallel_loop3A to %parallel_loop3A_297 step %parallel_loop3A_298  : i32 {
        %parallel_loop3A_428 = arith.constant 0 : i32
        %parallel_loop3A_429 = arith.index_cast %parallel_loop3A_428 : i32 to index
        %parallel_loop3A_430 = arith.index_cast %parallel_loop3A_427 : i32 to index
        %parallel_loop3A_431 = tpu.vector_load %arg8[%parallel_loop3A_429, %parallel_loop3A_430] {strides = array<i32>} : memref<8x4096xf32, #tpu.memory_space<vmem>>, vector<16xf32>,
        %parallel_loop3A_432 = arith.addi %and3A_12, %parallel_loop3A_427 : i32
        %parallel_loop3A_433 = vector.broadcast %parallel_loop3A_432 : i32 to vector<16xi32>
        %parallel_loop3A_434 = arith.addi %iota3A, %parallel_loop3A_433 : vector<16xi32>
        tpu.vector_store_idx %arg7[%broadcast_in_dim3A_296, %parallel_loop3A_434], %parallel_loop3A_431 : memref<8x4224xf32, #tpu.memory_space<vmem>>[vector<16xi32>, vector<16xi32>], vector<16xf32>,
      } {sc.loop_unroll_factor = 8 : i64, sc.parallel_access}
      %broadcast_in_dim3A_299 = arith.constant 1 : i32
      %broadcast_in_dim3A_300 = vector.broadcast %broadcast_in_dim3A_299 : i32 to vector<16xi32>
      %parallel_loop3A_301 = arith.constant 0 : i32
      %parallel_loop3A_302 = arith.constant 4096 : i32
      %parallel_loop3A_303 = arith.constant 16 : i32
      scf.for %parallel_loop3A_427 = %parallel_loop3A_301 to %parallel_loop3A_302 step %parallel_loop3A_303  : i32 {
        %parallel_loop3A_428 = arith.constant 1 : i32
        %parallel_loop3A_429 = arith.index_cast %parallel_loop3A_428 : i32 to index
        %parallel_loop3A_430 = arith.index_cast %parallel_loop3A_427 : i32 to index
        %parallel_loop3A_431 = tpu.vector_load %arg8[%parallel_loop3A_429, %parallel_loop3A_430] {strides = array<i32>} : memref<8x4096xf32, #tpu.memory_space<vmem>>, vector<16xf32>,
        %parallel_loop3A_432 = arith.addi %and3A_12, %parallel_loop3A_427 : i32
        %parallel_loop3A_433 = vector.broadcast %parallel_loop3A_432 : i32 to vector<16xi32>
        %parallel_loop3A_434 = arith.addi %iota3A, %parallel_loop3A_433 : vector<16xi32>
        tpu.vector_store_idx %arg7[%broadcast_in_dim3A_300, %parallel_loop3A_434], %parallel_loop3A_431 : memref<8x4224xf32, #tpu.memory_space<vmem>>[vector<16xi32>, vector<16xi32>], vector<16xf32>,
      } {sc.loop_unroll_factor = 8 : i64, sc.parallel_access}
      %broadcast_in_dim3A_304 = arith.constant 2 : i32
      %broadcast_in_dim3A_305 = vector.broadcast %broadcast_in_dim3A_304 : i32 to vector<16xi32>
      %parallel_loop3A_306 = arith.constant 0 : i32
      %parallel_loop3A_307 = arith.constant 4096 : i32
      %parallel_loop3A_308 = arith.constant 16 : i32
      scf.for %parallel_loop3A_427 = %parallel_loop3A_306 to %parallel_loop3A_307 step %parallel_loop3A_308  : i32 {
        %parallel_loop3A_428 = arith.constant 2 : i32
        %parallel_loop3A_429 = arith.index_cast %parallel_loop3A_428 : i32 to index
        %parallel_loop3A_430 = arith.index_cast %parallel_loop3A_427 : i32 to index
        %parallel_loop3A_431 = tpu.vector_load %arg8[%parallel_loop3A_429, %parallel_loop3A_430] {strides = array<i32>} : memref<8x4096xf32, #tpu.memory_space<vmem>>, vector<16xf32>,
        %parallel_loop3A_432 = arith.addi %and3A_12, %parallel_loop3A_427 : i32
        %parallel_loop3A_433 = vector.broadcast %parallel_loop3A_432 : i32 to vector<16xi32>
        %parallel_loop3A_434 = arith.addi %iota3A, %parallel_loop3A_433 : vector<16xi32>
        tpu.vector_store_idx %arg7[%broadcast_in_dim3A_305, %parallel_loop3A_434], %parallel_loop3A_431 : memref<8x4224xf32, #tpu.memory_space<vmem>>[vector<16xi32>, vector<16xi32>], vector<16xf32>,
      } {sc.loop_unroll_factor = 8 : i64, sc.parallel_access}
      %broadcast_in_dim3A_309 = arith.constant 3 : i32
      %broadcast_in_dim3A_310 = vector.broadcast %broadcast_in_dim3A_309 : i32 to vector<16xi32>
      %parallel_loop3A_311 = arith.constant 0 : i32
      %parallel_loop3A_312 = arith.constant 4096 : i32
      %parallel_loop3A_313 = arith.constant 16 : i32
      scf.for %parallel_loop3A_427 = %parallel_loop3A_311 to %parallel_loop3A_312 step %parallel_loop3A_313  : i32 {
        %parallel_loop3A_428 = arith.constant 3 : i32
        %parallel_loop3A_429 = arith.index_cast %parallel_loop3A_428 : i32 to index
        %parallel_loop3A_430 = arith.index_cast %parallel_loop3A_427 : i32 to index
        %parallel_loop3A_431 = tpu.vector_load %arg8[%parallel_loop3A_429, %parallel_loop3A_430] {strides = array<i32>} : memref<8x4096xf32, #tpu.memory_space<vmem>>, vector<16xf32>,
        %parallel_loop3A_432 = arith.addi %and3A_12, %parallel_loop3A_427 : i32
        %parallel_loop3A_433 = vector.broadcast %parallel_loop3A_432 : i32 to vector<16xi32>
        %parallel_loop3A_434 = arith.addi %iota3A, %parallel_loop3A_433 : vector<16xi32>
        tpu.vector_store_idx %arg7[%broadcast_in_dim3A_310, %parallel_loop3A_434], %parallel_loop3A_431 : memref<8x4224xf32, #tpu.memory_space<vmem>>[vector<16xi32>, vector<16xi32>], vector<16xf32>,
      } {sc.loop_unroll_factor = 8 : i64, sc.parallel_access}
      %broadcast_in_dim3A_314 = arith.constant 4 : i32
      %broadcast_in_dim3A_315 = vector.broadcast %broadcast_in_dim3A_314 : i32 to vector<16xi32>
      %parallel_loop3A_316 = arith.constant 0 : i32
      %parallel_loop3A_317 = arith.constant 4096 : i32
      %parallel_loop3A_318 = arith.constant 16 : i32
      scf.for %parallel_loop3A_427 = %parallel_loop3A_316 to %parallel_loop3A_317 step %parallel_loop3A_318  : i32 {
        %parallel_loop3A_428 = arith.constant 4 : i32
        %parallel_loop3A_429 = arith.index_cast %parallel_loop3A_428 : i32 to index
        %parallel_loop3A_430 = arith.index_cast %parallel_loop3A_427 : i32 to index
        %parallel_loop3A_431 = tpu.vector_load %arg8[%parallel_loop3A_429, %parallel_loop3A_430] {strides = array<i32>} : memref<8x4096xf32, #tpu.memory_space<vmem>>, vector<16xf32>,
        %parallel_loop3A_432 = arith.addi %and3A_12, %parallel_loop3A_427 : i32
        %parallel_loop3A_433 = vector.broadcast %parallel_loop3A_432 : i32 to vector<16xi32>
        %parallel_loop3A_434 = arith.addi %iota3A, %parallel_loop3A_433 : vector<16xi32>
        tpu.vector_store_idx %arg7[%broadcast_in_dim3A_315, %parallel_loop3A_434], %parallel_loop3A_431 : memref<8x4224xf32, #tpu.memory_space<vmem>>[vector<16xi32>, vector<16xi32>], vector<16xf32>,
      } {sc.loop_unroll_factor = 8 : i64, sc.parallel_access}
      %broadcast_in_dim3A_319 = arith.constant 5 : i32
      %broadcast_in_dim3A_320 = vector.broadcast %broadcast_in_dim3A_319 : i32 to vector<16xi32>
      %parallel_loop3A_321 = arith.constant 0 : i32
      %parallel_loop3A_322 = arith.constant 4096 : i32
      %parallel_loop3A_323 = arith.constant 16 : i32
      scf.for %parallel_loop3A_427 = %parallel_loop3A_321 to %parallel_loop3A_322 step %parallel_loop3A_323  : i32 {
        %parallel_loop3A_428 = arith.constant 5 : i32
        %parallel_loop3A_429 = arith.index_cast %parallel_loop3A_428 : i32 to index
        %parallel_loop3A_430 = arith.index_cast %parallel_loop3A_427 : i32 to index
        %parallel_loop3A_431 = tpu.vector_load %arg8[%parallel_loop3A_429, %parallel_loop3A_430] {strides = array<i32>} : memref<8x4096xf32, #tpu.memory_space<vmem>>, vector<16xf32>,
        %parallel_loop3A_432 = arith.addi %and3A_12, %parallel_loop3A_427 : i32
        %parallel_loop3A_433 = vector.broadcast %parallel_loop3A_432 : i32 to vector<16xi32>
        %parallel_loop3A_434 = arith.addi %iota3A, %parallel_loop3A_433 : vector<16xi32>
        tpu.vector_store_idx %arg7[%broadcast_in_dim3A_320, %parallel_loop3A_434], %parallel_loop3A_431 : memref<8x4224xf32, #tpu.memory_space<vmem>>[vector<16xi32>, vector<16xi32>], vector<16xf32>,
      } {sc.loop_unroll_factor = 8 : i64, sc.parallel_access}
      %broadcast_in_dim3A_324 = arith.constant 6 : i32
      %broadcast_in_dim3A_325 = vector.broadcast %broadcast_in_dim3A_324 : i32 to vector<16xi32>
      %parallel_loop3A_326 = arith.constant 0 : i32
      %parallel_loop3A_327 = arith.constant 4096 : i32
      %parallel_loop3A_328 = arith.constant 16 : i32
      scf.for %parallel_loop3A_427 = %parallel_loop3A_326 to %parallel_loop3A_327 step %parallel_loop3A_328  : i32 {
        %parallel_loop3A_428 = arith.constant 6 : i32
        %parallel_loop3A_429 = arith.index_cast %parallel_loop3A_428 : i32 to index
        %parallel_loop3A_430 = arith.index_cast %parallel_loop3A_427 : i32 to index
        %parallel_loop3A_431 = tpu.vector_load %arg8[%parallel_loop3A_429, %parallel_loop3A_430] {strides = array<i32>} : memref<8x4096xf32, #tpu.memory_space<vmem>>, vector<16xf32>,
        %parallel_loop3A_432 = arith.addi %and3A_12, %parallel_loop3A_427 : i32
        %parallel_loop3A_433 = vector.broadcast %parallel_loop3A_432 : i32 to vector<16xi32>
        %parallel_loop3A_434 = arith.addi %iota3A, %parallel_loop3A_433 : vector<16xi32>
        tpu.vector_store_idx %arg7[%broadcast_in_dim3A_325, %parallel_loop3A_434], %parallel_loop3A_431 : memref<8x4224xf32, #tpu.memory_space<vmem>>[vector<16xi32>, vector<16xi32>], vector<16xf32>,
      } {sc.loop_unroll_factor = 8 : i64, sc.parallel_access}
      %broadcast_in_dim3A_329 = arith.constant 7 : i32
      %broadcast_in_dim3A_330 = vector.broadcast %broadcast_in_dim3A_329 : i32 to vector<16xi32>
      %parallel_loop3A_331 = arith.constant 0 : i32
      %parallel_loop3A_332 = arith.constant 4096 : i32
      %parallel_loop3A_333 = arith.constant 16 : i32
      scf.for %parallel_loop3A_427 = %parallel_loop3A_331 to %parallel_loop3A_332 step %parallel_loop3A_333  : i32 {
        %parallel_loop3A_428 = arith.constant 7 : i32
        %parallel_loop3A_429 = arith.index_cast %parallel_loop3A_428 : i32 to index
        %parallel_loop3A_430 = arith.index_cast %parallel_loop3A_427 : i32 to index
        %parallel_loop3A_431 = tpu.vector_load %arg8[%parallel_loop3A_429, %parallel_loop3A_430] {strides = array<i32>} : memref<8x4096xf32, #tpu.memory_space<vmem>>, vector<16xf32>,
        %parallel_loop3A_432 = arith.addi %and3A_12, %parallel_loop3A_427 : i32
        %parallel_loop3A_433 = vector.broadcast %parallel_loop3A_432 : i32 to vector<16xi32>
        %parallel_loop3A_434 = arith.addi %iota3A, %parallel_loop3A_433 : vector<16xi32>
        tpu.vector_store_idx %arg7[%broadcast_in_dim3A_330, %parallel_loop3A_434], %parallel_loop3A_431 : memref<8x4224xf32, #tpu.memory_space<vmem>>[vector<16xi32>, vector<16xi32>], vector<16xf32>,
      } {sc.loop_unroll_factor = 8 : i64, sc.parallel_access}
      %mul3A_334 = arith.constant 8 : i32
      %mul3A_335 = arith.muli %scan3A_176, %mul3A_334 : i32
      %add3A_336 = arith.addi %mul3A_2, %mul3A_335 : i32
      %mul3A_337 = arith.constant 128 : i32
      %mul3A_338 = arith.muli %mul3A_337, %shift_right_arithmetic3A_11 : i32
      %dma_start3A_339 = tpu.memref_slice %arg5[%add3A_336, %mul3A_338] : memref<4096x8192xf32, #tpu.memory_space<hbm>> -> memref<8x4224xf32, #tpu.memory_space<hbm>>
      %dma_start3A_340 = tpu.memref_slice %arg5[%add3A_336, %mul3A_338] : memref<4096x8192xf32, #tpu.memory_space<hbm>> -> memref<8x4224xf32, #tpu.memory_space<hbm>>
      tpu.enqueue_dma source(%arg7 : memref<8x4224xf32, #tpu.memory_space<vmem>>) target(%dma_start3A_340 : memref<8x4224xf32, #tpu.memory_space<hbm>>) target_semaphore(%arg13 : memref<!tpu.dma_semaphore, #tpu.memory_space<semaphore_mem>>)
      %mul3A_341 = arith.constant 8 : i32
      %mul3A_342 = arith.muli %scan3A_176, %mul3A_341 : i32
      %add3A_343 = arith.addi %mul3A_2, %mul3A_342 : i32
      %convert_element_type3A_344 = arith.extui %ne3A_19 : i1 to i32
      %cond3A_345 = arith.constant 0 : i32
      %cond3A_346 = arith.constant 0 : i32
      %cond3A_347 = arith.cmpi ne, %convert_element_type3A_344, %cond3A_346 : i32
      scf.if %cond3A_347 {
        %dma_wait3A_427 = arith.constant 0 : i32
        %dma_wait3A_428 = arith.constant 0 : i32
        %dma_wait3A_429 = tpu.memref_slice %arg9[%arg1, %cond3A_345, %dma_wait3A_427, %dma_wait3A_428] : memref<16x1x8x3968xf32, #tpu.memory_space<vmem_shared>> -> memref<1x1x8x3968xf32, #tpu.memory_space<vmem_shared>>
        %dma_wait3A_430 = tpu.memref_squeeze %dma_wait3A_429 : memref<1x1x8x3968xf32, #tpu.memory_space<vmem_shared>> -> memref<8x3968xf32, #tpu.memory_space<vmem_shared>>
        %dma_wait3A_431 = arith.constant 0 : i32
        %dma_wait3A_432 = tpu.memref_slice %dma_wait3A_430[%dma_wait3A_431, %mul3A_16] : memref<8x3968xf32, #tpu.memory_space<vmem_shared>> -> memref<8x2048xf32, #tpu.memory_space<vmem_shared>>
        %dma_wait3A_433 = tpu.memref_slice %arg2[%add3A_343, %mul3A_16] : memref<4096x8192xf32, #tpu.memory_space<hbm>> -> memref<8x2048xf32, #tpu.memory_space<hbm>>
        tpu.wait_dma2 semaphore(%arg10 : memref<!tpu.dma_semaphore, #tpu.memory_space<semaphore_mem>>) src(%dma_wait3A_433 : memref<8x2048xf32, #tpu.memory_space<hbm>>) dst(%dma_wait3A_432 : memref<8x2048xf32, #tpu.memory_space<vmem_shared>>)
      } else {
      }
      %convert_element_type3A_348 = arith.extui %ne3A_31 : i1 to i32
      %cond3A_349 = arith.constant 0 : i32
      %cond3A_350 = arith.constant 0 : i32
      %cond3A_351 = arith.cmpi ne, %convert_element_type3A_348, %cond3A_350 : i32
      scf.if %cond3A_351 {
        %dma_wait3A_427 = arith.constant 0 : i32
        %dma_wait3A_428 = arith.constant 0 : i32
        %dma_wait3A_429 = tpu.memref_slice %arg9[%arg1, %cond3A_349, %dma_wait3A_427, %dma_wait3A_428] : memref<16x1x8x3968xf32, #tpu.memory_space<vmem_shared>> -> memref<1x1x8x3968xf32, #tpu.memory_space<vmem_shared>>
        %dma_wait3A_430 = tpu.memref_squeeze %dma_wait3A_429 : memref<1x1x8x3968xf32, #tpu.memory_space<vmem_shared>> -> memref<8x3968xf32, #tpu.memory_space<vmem_shared>>
        %dma_wait3A_431 = arith.constant 0 : i32
        %dma_wait3A_432 = tpu.memref_slice %dma_wait3A_430[%dma_wait3A_431, %sub3A_33] : memref<8x3968xf32, #tpu.memory_space<vmem_shared>> -> memref<8x2048xf32, #tpu.memory_space<vmem_shared>>
        %dma_wait3A_433 = tpu.memref_slice %arg2[%add3A_343, %mul3A_27] : memref<4096x8192xf32, #tpu.memory_space<hbm>> -> memref<8x2048xf32, #tpu.memory_space<hbm>>
        tpu.wait_dma2 semaphore(%arg10 : memref<!tpu.dma_semaphore, #tpu.memory_space<semaphore_mem>>) src(%dma_wait3A_433 : memref<8x2048xf32, #tpu.memory_space<hbm>>) dst(%dma_wait3A_432 : memref<8x2048xf32, #tpu.memory_space<vmem_shared>>)
      } else {
      }
      %convert_element_type3A_352 = arith.extui %ne3A_41 : i1 to i32
      %cond3A_353 = arith.constant 0 : i32
      %cond3A_354 = arith.constant 0 : i32
      %cond3A_355 = arith.cmpi ne, %convert_element_type3A_352, %cond3A_354 : i32
      scf.if %cond3A_355 {
        %dma_wait3A_427 = arith.constant 0 : i32
        %dma_wait3A_428 = arith.constant 0 : i32
        %dma_wait3A_429 = tpu.memref_slice %arg9[%arg1, %cond3A_353, %dma_wait3A_427, %dma_wait3A_428] : memref<16x1x8x3968xf32, #tpu.memory_space<vmem_shared>> -> memref<1x1x8x3968xf32, #tpu.memory_space<vmem_shared>>
        %dma_wait3A_430 = tpu.memref_squeeze %dma_wait3A_429 : memref<1x1x8x3968xf32, #tpu.memory_space<vmem_shared>> -> memref<8x3968xf32, #tpu.memory_space<vmem_shared>>
        %dma_wait3A_431 = arith.constant 0 : i32
        %dma_wait3A_432 = tpu.memref_slice %dma_wait3A_430[%dma_wait3A_431, %mul3A_37] : memref<8x3968xf32, #tpu.memory_space<vmem_shared>> -> memref<8x1024xf32, #tpu.memory_space<vmem_shared>>
        %dma_wait3A_433 = tpu.memref_slice %arg2[%add3A_343, %mul3A_37] : memref<4096x8192xf32, #tpu.memory_space<hbm>> -> memref<8x1024xf32, #tpu.memory_space<hbm>>
        tpu.wait_dma2 semaphore(%arg10 : memref<!tpu.dma_semaphore, #tpu.memory_space<semaphore_mem>>) src(%dma_wait3A_433 : memref<8x1024xf32, #tpu.memory_space<hbm>>) dst(%dma_wait3A_432 : memref<8x1024xf32, #tpu.memory_space<vmem_shared>>)
      } else {
      }
      %convert_element_type3A_356 = arith.extui %ne3A_54 : i1 to i32
      %cond3A_357 = arith.constant 0 : i32
      %cond3A_358 = arith.constant 0 : i32
      %cond3A_359 = arith.cmpi ne, %convert_element_type3A_356, %cond3A_358 : i32
      scf.if %cond3A_359 {
        %dma_wait3A_427 = arith.constant 0 : i32
        %dma_wait3A_428 = arith.constant 0 : i32
        %dma_wait3A_429 = tpu.memref_slice %arg9[%arg1, %cond3A_357, %dma_wait3A_427, %dma_wait3A_428] : memref<16x1x8x3968xf32, #tpu.memory_space<vmem_shared>> -> memref<1x1x8x3968xf32, #tpu.memory_space<vmem_shared>>
        %dma_wait3A_430 = tpu.memref_squeeze %dma_wait3A_429 : memref<1x1x8x3968xf32, #tpu.memory_space<vmem_shared>> -> memref<8x3968xf32, #tpu.memory_space<vmem_shared>>
        %dma_wait3A_431 = arith.constant 0 : i32
        %dma_wait3A_432 = tpu.memref_slice %dma_wait3A_430[%dma_wait3A_431, %sub3A_56] : memref<8x3968xf32, #tpu.memory_space<vmem_shared>> -> memref<8x1024xf32, #tpu.memory_space<vmem_shared>>
        %dma_wait3A_433 = tpu.memref_slice %arg2[%add3A_343, %mul3A_50] : memref<4096x8192xf32, #tpu.memory_space<hbm>> -> memref<8x1024xf32, #tpu.memory_space<hbm>>
        tpu.wait_dma2 semaphore(%arg10 : memref<!tpu.dma_semaphore, #tpu.memory_space<semaphore_mem>>) src(%dma_wait3A_433 : memref<8x1024xf32, #tpu.memory_space<hbm>>) dst(%dma_wait3A_432 : memref<8x1024xf32, #tpu.memory_space<vmem_shared>>)
      } else {
      }
      %convert_element_type3A_360 = arith.extui %ne3A_64 : i1 to i32
      %cond3A_361 = arith.constant 0 : i32
      %cond3A_362 = arith.constant 0 : i32
      %cond3A_363 = arith.cmpi ne, %convert_element_type3A_360, %cond3A_362 : i32
      scf.if %cond3A_363 {
        %dma_wait3A_427 = arith.constant 0 : i32
        %dma_wait3A_428 = arith.constant 0 : i32
        %dma_wait3A_429 = tpu.memref_slice %arg9[%arg1, %cond3A_361, %dma_wait3A_427, %dma_wait3A_428] : memref<16x1x8x3968xf32, #tpu.memory_space<vmem_shared>> -> memref<1x1x8x3968xf32, #tpu.memory_space<vmem_shared>>
        %dma_wait3A_430 = tpu.memref_squeeze %dma_wait3A_429 : memref<1x1x8x3968xf32, #tpu.memory_space<vmem_shared>> -> memref<8x3968xf32, #tpu.memory_space<vmem_shared>>
        %dma_wait3A_431 = arith.constant 0 : i32
        %dma_wait3A_432 = tpu.memref_slice %dma_wait3A_430[%dma_wait3A_431, %mul3A_60] : memref<8x3968xf32, #tpu.memory_space<vmem_shared>> -> memref<8x512xf32, #tpu.memory_space<vmem_shared>>
        %dma_wait3A_433 = tpu.memref_slice %arg2[%add3A_343, %mul3A_60] : memref<4096x8192xf32, #tpu.memory_space<hbm>> -> memref<8x512xf32, #tpu.memory_space<hbm>>
        tpu.wait_dma2 semaphore(%arg10 : memref<!tpu.dma_semaphore, #tpu.memory_space<semaphore_mem>>) src(%dma_wait3A_433 : memref<8x512xf32, #tpu.memory_space<hbm>>) dst(%dma_wait3A_432 : memref<8x512xf32, #tpu.memory_space<vmem_shared>>)
      } else {
      }
      %convert_element_type3A_364 = arith.extui %ne3A_77 : i1 to i32
      %cond3A_365 = arith.constant 0 : i32
      %cond3A_366 = arith.constant 0 : i32
      %cond3A_367 = arith.cmpi ne, %convert_element_type3A_364, %cond3A_366 : i32
      scf.if %cond3A_367 {
        %dma_wait3A_427 = arith.constant 0 : i32
        %dma_wait3A_428 = arith.constant 0 : i32
        %dma_wait3A_429 = tpu.memref_slice %arg9[%arg1, %cond3A_365, %dma_wait3A_427, %dma_wait3A_428] : memref<16x1x8x3968xf32, #tpu.memory_space<vmem_shared>> -> memref<1x1x8x3968xf32, #tpu.memory_space<vmem_shared>>
        %dma_wait3A_430 = tpu.memref_squeeze %dma_wait3A_429 : memref<1x1x8x3968xf32, #tpu.memory_space<vmem_shared>> -> memref<8x3968xf32, #tpu.memory_space<vmem_shared>>
        %dma_wait3A_431 = arith.constant 0 : i32
        %dma_wait3A_432 = tpu.memref_slice %dma_wait3A_430[%dma_wait3A_431, %sub3A_79] : memref<8x3968xf32, #tpu.memory_space<vmem_shared>> -> memref<8x512xf32, #tpu.memory_space<vmem_shared>>
        %dma_wait3A_433 = tpu.memref_slice %arg2[%add3A_343, %mul3A_73] : memref<4096x8192xf32, #tpu.memory_space<hbm>> -> memref<8x512xf32, #tpu.memory_space<hbm>>
        tpu.wait_dma2 semaphore(%arg10 : memref<!tpu.dma_semaphore, #tpu.memory_space<semaphore_mem>>) src(%dma_wait3A_433 : memref<8x512xf32, #tpu.memory_space<hbm>>) dst(%dma_wait3A_432 : memref<8x512xf32, #tpu.memory_space<vmem_shared>>)
      } else {
      }
      %convert_element_type3A_368 = arith.extui %ne3A_87 : i1 to i32
      %cond3A_369 = arith.constant 0 : i32
      %cond3A_370 = arith.constant 0 : i32
      %cond3A_371 = arith.cmpi ne, %convert_element_type3A_368, %cond3A_370 : i32
      scf.if %cond3A_371 {
        %dma_wait3A_427 = arith.constant 0 : i32
        %dma_wait3A_428 = arith.constant 0 : i32
        %dma_wait3A_429 = tpu.memref_slice %arg9[%arg1, %cond3A_369, %dma_wait3A_427, %dma_wait3A_428] : memref<16x1x8x3968xf32, #tpu.memory_space<vmem_shared>> -> memref<1x1x8x3968xf32, #tpu.memory_space<vmem_shared>>
        %dma_wait3A_430 = tpu.memref_squeeze %dma_wait3A_429 : memref<1x1x8x3968xf32, #tpu.memory_space<vmem_shared>> -> memref<8x3968xf32, #tpu.memory_space<vmem_shared>>
        %dma_wait3A_431 = arith.constant 0 : i32
        %dma_wait3A_432 = tpu.memref_slice %dma_wait3A_430[%dma_wait3A_431, %mul3A_83] : memref<8x3968xf32, #tpu.memory_space<vmem_shared>> -> memref<8x256xf32, #tpu.memory_space<vmem_shared>>
        %dma_wait3A_433 = tpu.memref_slice %arg2[%add3A_343, %mul3A_83] : memref<4096x8192xf32, #tpu.memory_space<hbm>> -> memref<8x256xf32, #tpu.memory_space<hbm>>
        tpu.wait_dma2 semaphore(%arg10 : memref<!tpu.dma_semaphore, #tpu.memory_space<semaphore_mem>>) src(%dma_wait3A_433 : memref<8x256xf32, #tpu.memory_space<hbm>>) dst(%dma_wait3A_432 : memref<8x256xf32, #tpu.memory_space<vmem_shared>>)
      } else {
      }
      %convert_element_type3A_372 = arith.extui %ne3A_100 : i1 to i32
      %cond3A_373 = arith.constant 0 : i32
      %cond3A_374 = arith.constant 0 : i32
      %cond3A_375 = arith.cmpi ne, %convert_element_type3A_372, %cond3A_374 : i32
      scf.if %cond3A_375 {
        %dma_wait3A_427 = arith.constant 0 : i32
        %dma_wait3A_428 = arith.constant 0 : i32
        %dma_wait3A_429 = tpu.memref_slice %arg9[%arg1, %cond3A_373, %dma_wait3A_427, %dma_wait3A_428] : memref<16x1x8x3968xf32, #tpu.memory_space<vmem_shared>> -> memref<1x1x8x3968xf32, #tpu.memory_space<vmem_shared>>
        %dma_wait3A_430 = tpu.memref_squeeze %dma_wait3A_429 : memref<1x1x8x3968xf32, #tpu.memory_space<vmem_shared>> -> memref<8x3968xf32, #tpu.memory_space<vmem_shared>>
        %dma_wait3A_431 = arith.constant 0 : i32
        %dma_wait3A_432 = tpu.memref_slice %dma_wait3A_430[%dma_wait3A_431, %sub3A_102] : memref<8x3968xf32, #tpu.memory_space<vmem_shared>> -> memref<8x256xf32, #tpu.memory_space<vmem_shared>>
        %dma_wait3A_433 = tpu.memref_slice %arg2[%add3A_343, %mul3A_96] : memref<4096x8192xf32, #tpu.memory_space<hbm>> -> memref<8x256xf32, #tpu.memory_space<hbm>>
        tpu.wait_dma2 semaphore(%arg10 : memref<!tpu.dma_semaphore, #tpu.memory_space<semaphore_mem>>) src(%dma_wait3A_433 : memref<8x256xf32, #tpu.memory_space<hbm>>) dst(%dma_wait3A_432 : memref<8x256xf32, #tpu.memory_space<vmem_shared>>)
      } else {
      }
      %convert_element_type3A_376 = arith.extui %ne3A_110 : i1 to i32
      %cond3A_377 = arith.constant 0 : i32
      %cond3A_378 = arith.constant 0 : i32
      %cond3A_379 = arith.cmpi ne, %convert_element_type3A_376, %cond3A_378 : i32
      scf.if %cond3A_379 {
        %dma_wait3A_427 = arith.constant 0 : i32
        %dma_wait3A_428 = arith.constant 0 : i32
        %dma_wait3A_429 = tpu.memref_slice %arg9[%arg1, %cond3A_377, %dma_wait3A_427, %dma_wait3A_428] : memref<16x1x8x3968xf32, #tpu.memory_space<vmem_shared>> -> memref<1x1x8x3968xf32, #tpu.memory_space<vmem_shared>>
        %dma_wait3A_430 = tpu.memref_squeeze %dma_wait3A_429 : memref<1x1x8x3968xf32, #tpu.memory_space<vmem_shared>> -> memref<8x3968xf32, #tpu.memory_space<vmem_shared>>
        %dma_wait3A_431 = arith.constant 0 : i32
        %dma_wait3A_432 = tpu.memref_slice %dma_wait3A_430[%dma_wait3A_431, %mul3A_106] : memref<8x3968xf32, #tpu.memory_space<vmem_shared>> -> memref<8x128xf32, #tpu.memory_space<vmem_shared>>
        %dma_wait3A_433 = tpu.memref_slice %arg2[%add3A_343, %mul3A_106] : memref<4096x8192xf32, #tpu.memory_space<hbm>> -> memref<8x128xf32, #tpu.memory_space<hbm>>
        tpu.wait_dma2 semaphore(%arg10 : memref<!tpu.dma_semaphore, #tpu.memory_space<semaphore_mem>>) src(%dma_wait3A_433 : memref<8x128xf32, #tpu.memory_space<hbm>>) dst(%dma_wait3A_432 : memref<8x128xf32, #tpu.memory_space<vmem_shared>>)
      } else {
      }
      %convert_element_type3A_380 = arith.extui %ne3A_123 : i1 to i32
      %cond3A_381 = arith.constant 0 : i32
      %cond3A_382 = arith.constant 0 : i32
      %cond3A_383 = arith.cmpi ne, %convert_element_type3A_380, %cond3A_382 : i32
      scf.if %cond3A_383 {
        %dma_wait3A_427 = arith.constant 0 : i32
        %dma_wait3A_428 = arith.constant 0 : i32
        %dma_wait3A_429 = tpu.memref_slice %arg9[%arg1, %cond3A_381, %dma_wait3A_427, %dma_wait3A_428] : memref<16x1x8x3968xf32, #tpu.memory_space<vmem_shared>> -> memref<1x1x8x3968xf32, #tpu.memory_space<vmem_shared>>
        %dma_wait3A_430 = tpu.memref_squeeze %dma_wait3A_429 : memref<1x1x8x3968xf32, #tpu.memory_space<vmem_shared>> -> memref<8x3968xf32, #tpu.memory_space<vmem_shared>>
        %dma_wait3A_431 = arith.constant 0 : i32
        %dma_wait3A_432 = tpu.memref_slice %dma_wait3A_430[%dma_wait3A_431, %sub3A_125] : memref<8x3968xf32, #tpu.memory_space<vmem_shared>> -> memref<8x128xf32, #tpu.memory_space<vmem_shared>>
        %dma_wait3A_433 = tpu.memref_slice %arg2[%add3A_343, %mul3A_119] : memref<4096x8192xf32, #tpu.memory_space<hbm>> -> memref<8x128xf32, #tpu.memory_space<hbm>>
        tpu.wait_dma2 semaphore(%arg10 : memref<!tpu.dma_semaphore, #tpu.memory_space<semaphore_mem>>) src(%dma_wait3A_433 : memref<8x128xf32, #tpu.memory_space<hbm>>) dst(%dma_wait3A_432 : memref<8x128xf32, #tpu.memory_space<vmem_shared>>)
      } else {
      }
      %mul3A_384 = arith.constant 8 : i32
      %mul3A_385 = arith.muli %scan3A_176, %mul3A_384 : i32
      %add3A_386 = arith.addi %mul3A_2, %mul3A_385 : i32
      %convert_element_type3A_387 = arith.extui %ne3A_19 : i1 to i32
      %cond3A_388 = arith.constant 0 : i32
      %cond3A_389 = arith.constant 0 : i32
      %cond3A_390 = arith.cmpi ne, %convert_element_type3A_387, %cond3A_389 : i32
      scf.if %cond3A_390 {
        %dma_start3A_427 = tpu.memref_slice %arg5[%add3A_386, %mul3A_16] : memref<4096x8192xf32, #tpu.memory_space<hbm>> -> memref<8x2048xf32, #tpu.memory_space<hbm>>
        %dma_start3A_428 = arith.constant 0 : i32
        %dma_start3A_429 = arith.constant 0 : i32
        %dma_start3A_430 = tpu.memref_slice %arg9[%arg1, %cond3A_388, %dma_start3A_428, %dma_start3A_429] : memref<16x1x8x3968xf32, #tpu.memory_space<vmem_shared>> -> memref<1x1x8x3968xf32, #tpu.memory_space<vmem_shared>>
        %dma_start3A_431 = tpu.memref_squeeze %dma_start3A_430 : memref<1x1x8x3968xf32, #tpu.memory_space<vmem_shared>> -> memref<8x3968xf32, #tpu.memory_space<vmem_shared>>
        %dma_start3A_432 = arith.constant 0 : i32
        %dma_start3A_433 = tpu.memref_slice %dma_start3A_431[%dma_start3A_432, %mul3A_16] : memref<8x3968xf32, #tpu.memory_space<vmem_shared>> -> memref<8x2048xf32, #tpu.memory_space<vmem_shared>>
        tpu.enqueue_dma source(%dma_start3A_433 : memref<8x2048xf32, #tpu.memory_space<vmem_shared>>) target(%dma_start3A_427 : memref<8x2048xf32, #tpu.memory_space<hbm>>) target_semaphore(%arg14 : memref<!tpu.dma_semaphore, #tpu.memory_space<semaphore_mem>>)
      } else {
      }
      %convert_element_type3A_391 = arith.extui %ne3A_31 : i1 to i32
      %cond3A_392 = arith.constant 0 : i32
      %cond3A_393 = arith.constant 0 : i32
      %cond3A_394 = arith.cmpi ne, %convert_element_type3A_391, %cond3A_393 : i32
      scf.if %cond3A_394 {
        %dma_start3A_427 = tpu.memref_slice %arg5[%add3A_386, %mul3A_27] : memref<4096x8192xf32, #tpu.memory_space<hbm>> -> memref<8x2048xf32, #tpu.memory_space<hbm>>
        %dma_start3A_428 = arith.constant 0 : i32
        %dma_start3A_429 = arith.constant 0 : i32
        %dma_start3A_430 = tpu.memref_slice %arg9[%arg1, %cond3A_392, %dma_start3A_428, %dma_start3A_429] : memref<16x1x8x3968xf32, #tpu.memory_space<vmem_shared>> -> memref<1x1x8x3968xf32, #tpu.memory_space<vmem_shared>>
        %dma_start3A_431 = tpu.memref_squeeze %dma_start3A_430 : memref<1x1x8x3968xf32, #tpu.memory_space<vmem_shared>> -> memref<8x3968xf32, #tpu.memory_space<vmem_shared>>
        %dma_start3A_432 = arith.constant 0 : i32
        %dma_start3A_433 = tpu.memref_slice %dma_start3A_431[%dma_start3A_432, %sub3A_33] : memref<8x3968xf32, #tpu.memory_space<vmem_shared>> -> memref<8x2048xf32, #tpu.memory_space<vmem_shared>>
        tpu.enqueue_dma source(%dma_start3A_433 : memref<8x2048xf32, #tpu.memory_space<vmem_shared>>) target(%dma_start3A_427 : memref<8x2048xf32, #tpu.memory_space<hbm>>) target_semaphore(%arg14 : memref<!tpu.dma_semaphore, #tpu.memory_space<semaphore_mem>>)
      } else {
      }
      %convert_element_type3A_395 = arith.extui %ne3A_41 : i1 to i32
      %cond3A_396 = arith.constant 0 : i32
      %cond3A_397 = arith.constant 0 : i32
      %cond3A_398 = arith.cmpi ne, %convert_element_type3A_395, %cond3A_397 : i32
      scf.if %cond3A_398 {
        %dma_start3A_427 = tpu.memref_slice %arg5[%add3A_386, %mul3A_37] : memref<4096x8192xf32, #tpu.memory_space<hbm>> -> memref<8x1024xf32, #tpu.memory_space<hbm>>
        %dma_start3A_428 = arith.constant 0 : i32
        %dma_start3A_429 = arith.constant 0 : i32
        %dma_start3A_430 = tpu.memref_slice %arg9[%arg1, %cond3A_396, %dma_start3A_428, %dma_start3A_429] : memref<16x1x8x3968xf32, #tpu.memory_space<vmem_shared>> -> memref<1x1x8x3968xf32, #tpu.memory_space<vmem_shared>>
        %dma_start3A_431 = tpu.memref_squeeze %dma_start3A_430 : memref<1x1x8x3968xf32, #tpu.memory_space<vmem_shared>> -> memref<8x3968xf32, #tpu.memory_space<vmem_shared>>
        %dma_start3A_432 = arith.constant 0 : i32
        %dma_start3A_433 = tpu.memref_slice %dma_start3A_431[%dma_start3A_432, %mul3A_37] : memref<8x3968xf32, #tpu.memory_space<vmem_shared>> -> memref<8x1024xf32, #tpu.memory_space<vmem_shared>>
        tpu.enqueue_dma source(%dma_start3A_433 : memref<8x1024xf32, #tpu.memory_space<vmem_shared>>) target(%dma_start3A_427 : memref<8x1024xf32, #tpu.memory_space<hbm>>) target_semaphore(%arg14 : memref<!tpu.dma_semaphore, #tpu.memory_space<semaphore_mem>>)
      } else {
      }
      %convert_element_type3A_399 = arith.extui %ne3A_54 : i1 to i32
      %cond3A_400 = arith.constant 0 : i32
      %cond3A_401 = arith.constant 0 : i32
      %cond3A_402 = arith.cmpi ne, %convert_element_type3A_399, %cond3A_401 : i32
      scf.if %cond3A_402 {
        %dma_start3A_427 = tpu.memref_slice %arg5[%add3A_386, %mul3A_50] : memref<4096x8192xf32, #tpu.memory_space<hbm>> -> memref<8x1024xf32, #tpu.memory_space<hbm>>
        %dma_start3A_428 = arith.constant 0 : i32
        %dma_start3A_429 = arith.constant 0 : i32
        %dma_start3A_430 = tpu.memref_slice %arg9[%arg1, %cond3A_400, %dma_start3A_428, %dma_start3A_429] : memref<16x1x8x3968xf32, #tpu.memory_space<vmem_shared>> -> memref<1x1x8x3968xf32, #tpu.memory_space<vmem_shared>>
        %dma_start3A_431 = tpu.memref_squeeze %dma_start3A_430 : memref<1x1x8x3968xf32, #tpu.memory_space<vmem_shared>> -> memref<8x3968xf32, #tpu.memory_space<vmem_shared>>
        %dma_start3A_432 = arith.constant 0 : i32
        %dma_start3A_433 = tpu.memref_slice %dma_start3A_431[%dma_start3A_432, %sub3A_56] : memref<8x3968xf32, #tpu.memory_space<vmem_shared>> -> memref<8x1024xf32, #tpu.memory_space<vmem_shared>>
        tpu.enqueue_dma source(%dma_start3A_433 : memref<8x1024xf32, #tpu.memory_space<vmem_shared>>) target(%dma_start3A_427 : memref<8x1024xf32, #tpu.memory_space<hbm>>) target_semaphore(%arg14 : memref<!tpu.dma_semaphore, #tpu.memory_space<semaphore_mem>>)
      } else {
      }
      %convert_element_type3A_403 = arith.extui %ne3A_64 : i1 to i32
      %cond3A_404 = arith.constant 0 : i32
      %cond3A_405 = arith.constant 0 : i32
      %cond3A_406 = arith.cmpi ne, %convert_element_type3A_403, %cond3A_405 : i32
      scf.if %cond3A_406 {
        %dma_start3A_427 = tpu.memref_slice %arg5[%add3A_386, %mul3A_60] : memref<4096x8192xf32, #tpu.memory_space<hbm>> -> memref<8x512xf32, #tpu.memory_space<hbm>>
        %dma_start3A_428 = arith.constant 0 : i32
        %dma_start3A_429 = arith.constant 0 : i32
        %dma_start3A_430 = tpu.memref_slice %arg9[%arg1, %cond3A_404, %dma_start3A_428, %dma_start3A_429] : memref<16x1x8x3968xf32, #tpu.memory_space<vmem_shared>> -> memref<1x1x8x3968xf32, #tpu.memory_space<vmem_shared>>
        %dma_start3A_431 = tpu.memref_squeeze %dma_start3A_430 : memref<1x1x8x3968xf32, #tpu.memory_space<vmem_shared>> -> memref<8x3968xf32, #tpu.memory_space<vmem_shared>>
        %dma_start3A_432 = arith.constant 0 : i32
        %dma_start3A_433 = tpu.memref_slice %dma_start3A_431[%dma_start3A_432, %mul3A_60] : memref<8x3968xf32, #tpu.memory_space<vmem_shared>> -> memref<8x512xf32, #tpu.memory_space<vmem_shared>>
        tpu.enqueue_dma source(%dma_start3A_433 : memref<8x512xf32, #tpu.memory_space<vmem_shared>>) target(%dma_start3A_427 : memref<8x512xf32, #tpu.memory_space<hbm>>) target_semaphore(%arg14 : memref<!tpu.dma_semaphore, #tpu.memory_space<semaphore_mem>>)
      } else {
      }
      %convert_element_type3A_407 = arith.extui %ne3A_77 : i1 to i32
      %cond3A_408 = arith.constant 0 : i32
      %cond3A_409 = arith.constant 0 : i32
      %cond3A_410 = arith.cmpi ne, %convert_element_type3A_407, %cond3A_409 : i32
      scf.if %cond3A_410 {
        %dma_start3A_427 = tpu.memref_slice %arg5[%add3A_386, %mul3A_73] : memref<4096x8192xf32, #tpu.memory_space<hbm>> -> memref<8x512xf32, #tpu.memory_space<hbm>>
        %dma_start3A_428 = arith.constant 0 : i32
        %dma_start3A_429 = arith.constant 0 : i32
        %dma_start3A_430 = tpu.memref_slice %arg9[%arg1, %cond3A_408, %dma_start3A_428, %dma_start3A_429] : memref<16x1x8x3968xf32, #tpu.memory_space<vmem_shared>> -> memref<1x1x8x3968xf32, #tpu.memory_space<vmem_shared>>
        %dma_start3A_431 = tpu.memref_squeeze %dma_start3A_430 : memref<1x1x8x3968xf32, #tpu.memory_space<vmem_shared>> -> memref<8x3968xf32, #tpu.memory_space<vmem_shared>>
        %dma_start3A_432 = arith.constant 0 : i32
        %dma_start3A_433 = tpu.memref_slice %dma_start3A_431[%dma_start3A_432, %sub3A_79] : memref<8x3968xf32, #tpu.memory_space<vmem_shared>> -> memref<8x512xf32, #tpu.memory_space<vmem_shared>>
        tpu.enqueue_dma source(%dma_start3A_433 : memref<8x512xf32, #tpu.memory_space<vmem_shared>>) target(%dma_start3A_427 : memref<8x512xf32, #tpu.memory_space<hbm>>) target_semaphore(%arg14 : memref<!tpu.dma_semaphore, #tpu.memory_space<semaphore_mem>>)
      } else {
      }
      %convert_element_type3A_411 = arith.extui %ne3A_87 : i1 to i32
      %cond3A_412 = arith.constant 0 : i32
      %cond3A_413 = arith.constant 0 : i32
      %cond3A_414 = arith.cmpi ne, %convert_element_type3A_411, %cond3A_413 : i32
      scf.if %cond3A_414 {
        %dma_start3A_427 = tpu.memref_slice %arg5[%add3A_386, %mul3A_83] : memref<4096x8192xf32, #tpu.memory_space<hbm>> -> memref<8x256xf32, #tpu.memory_space<hbm>>
        %dma_start3A_428 = arith.constant 0 : i32
        %dma_start3A_429 = arith.constant 0 : i32
        %dma_start3A_430 = tpu.memref_slice %arg9[%arg1, %cond3A_412, %dma_start3A_428, %dma_start3A_429] : memref<16x1x8x3968xf32, #tpu.memory_space<vmem_shared>> -> memref<1x1x8x3968xf32, #tpu.memory_space<vmem_shared>>
        %dma_start3A_431 = tpu.memref_squeeze %dma_start3A_430 : memref<1x1x8x3968xf32, #tpu.memory_space<vmem_shared>> -> memref<8x3968xf32, #tpu.memory_space<vmem_shared>>
        %dma_start3A_432 = arith.constant 0 : i32
        %dma_start3A_433 = tpu.memref_slice %dma_start3A_431[%dma_start3A_432, %mul3A_83] : memref<8x3968xf32, #tpu.memory_space<vmem_shared>> -> memref<8x256xf32, #tpu.memory_space<vmem_shared>>
        tpu.enqueue_dma source(%dma_start3A_433 : memref<8x256xf32, #tpu.memory_space<vmem_shared>>) target(%dma_start3A_427 : memref<8x256xf32, #tpu.memory_space<hbm>>) target_semaphore(%arg14 : memref<!tpu.dma_semaphore, #tpu.memory_space<semaphore_mem>>)
      } else {
      }
      %convert_element_type3A_415 = arith.extui %ne3A_100 : i1 to i32
      %cond3A_416 = arith.constant 0 : i32
      %cond3A_417 = arith.constant 0 : i32
      %cond3A_418 = arith.cmpi ne, %convert_element_type3A_415, %cond3A_417 : i32
      scf.if %cond3A_418 {
        %dma_start3A_427 = tpu.memref_slice %arg5[%add3A_386, %mul3A_96] : memref<4096x8192xf32, #tpu.memory_space<hbm>> -> memref<8x256xf32, #tpu.memory_space<hbm>>
        %dma_start3A_428 = arith.constant 0 : i32
        %dma_start3A_429 = arith.constant 0 : i32
        %dma_start3A_430 = tpu.memref_slice %arg9[%arg1, %cond3A_416, %dma_start3A_428, %dma_start3A_429] : memref<16x1x8x3968xf32, #tpu.memory_space<vmem_shared>> -> memref<1x1x8x3968xf32, #tpu.memory_space<vmem_shared>>
        %dma_start3A_431 = tpu.memref_squeeze %dma_start3A_430 : memref<1x1x8x3968xf32, #tpu.memory_space<vmem_shared>> -> memref<8x3968xf32, #tpu.memory_space<vmem_shared>>
        %dma_start3A_432 = arith.constant 0 : i32
        %dma_start3A_433 = tpu.memref_slice %dma_start3A_431[%dma_start3A_432, %sub3A_102] : memref<8x3968xf32, #tpu.memory_space<vmem_shared>> -> memref<8x256xf32, #tpu.memory_space<vmem_shared>>
        tpu.enqueue_dma source(%dma_start3A_433 : memref<8x256xf32, #tpu.memory_space<vmem_shared>>) target(%dma_start3A_427 : memref<8x256xf32, #tpu.memory_space<hbm>>) target_semaphore(%arg14 : memref<!tpu.dma_semaphore, #tpu.memory_space<semaphore_mem>>)
      } else {
      }
      %convert_element_type3A_419 = arith.extui %ne3A_110 : i1 to i32
      %cond3A_420 = arith.constant 0 : i32
      %cond3A_421 = arith.constant 0 : i32
      %cond3A_422 = arith.cmpi ne, %convert_element_type3A_419, %cond3A_421 : i32
      scf.if %cond3A_422 {
        %dma_start3A_427 = tpu.memref_slice %arg5[%add3A_386, %mul3A_106] : memref<4096x8192xf32, #tpu.memory_space<hbm>> -> memref<8x128xf32, #tpu.memory_space<hbm>>
        %dma_start3A_428 = arith.constant 0 : i32
        %dma_start3A_429 = arith.constant 0 : i32
        %dma_start3A_430 = tpu.memref_slice %arg9[%arg1, %cond3A_420, %dma_start3A_428, %dma_start3A_429] : memref<16x1x8x3968xf32, #tpu.memory_space<vmem_shared>> -> memref<1x1x8x3968xf32, #tpu.memory_space<vmem_shared>>
        %dma_start3A_431 = tpu.memref_squeeze %dma_start3A_430 : memref<1x1x8x3968xf32, #tpu.memory_space<vmem_shared>> -> memref<8x3968xf32, #tpu.memory_space<vmem_shared>>
        %dma_start3A_432 = arith.constant 0 : i32
        %dma_start3A_433 = tpu.memref_slice %dma_start3A_431[%dma_start3A_432, %mul3A_106] : memref<8x3968xf32, #tpu.memory_space<vmem_shared>> -> memref<8x128xf32, #tpu.memory_space<vmem_shared>>
        tpu.enqueue_dma source(%dma_start3A_433 : memref<8x128xf32, #tpu.memory_space<vmem_shared>>) target(%dma_start3A_427 : memref<8x128xf32, #tpu.memory_space<hbm>>) target_semaphore(%arg14 : memref<!tpu.dma_semaphore, #tpu.memory_space<semaphore_mem>>)
      } else {
      }
      %convert_element_type3A_423 = arith.extui %ne3A_123 : i1 to i32
      %cond3A_424 = arith.constant 0 : i32
      %cond3A_425 = arith.constant 0 : i32
      %cond3A_426 = arith.cmpi ne, %convert_element_type3A_423, %cond3A_425 : i32
      scf.if %cond3A_426 {
        %dma_start3A_427 = tpu.memref_slice %arg5[%add3A_386, %mul3A_119] : memref<4096x8192xf32, #tpu.memory_space<hbm>> -> memref<8x128xf32, #tpu.memory_space<hbm>>
        %dma_start3A_428 = arith.constant 0 : i32
        %dma_start3A_429 = arith.constant 0 : i32
        %dma_start3A_430 = tpu.memref_slice %arg9[%arg1, %cond3A_424, %dma_start3A_428, %dma_start3A_429] : memref<16x1x8x3968xf32, #tpu.memory_space<vmem_shared>> -> memref<1x1x8x3968xf32, #tpu.memory_space<vmem_shared>>
        %dma_start3A_431 = tpu.memref_squeeze %dma_start3A_430 : memref<1x1x8x3968xf32, #tpu.memory_space<vmem_shared>> -> memref<8x3968xf32, #tpu.memory_space<vmem_shared>>
        %dma_start3A_432 = arith.constant 0 : i32
        %dma_start3A_433 = tpu.memref_slice %dma_start3A_431[%dma_start3A_432, %sub3A_125] : memref<8x3968xf32, #tpu.memory_space<vmem_shared>> -> memref<8x128xf32, #tpu.memory_space<vmem_shared>>
        tpu.enqueue_dma source(%dma_start3A_433 : memref<8x128xf32, #tpu.memory_space<vmem_shared>>) target(%dma_start3A_427 : memref<8x128xf32, #tpu.memory_space<hbm>>) target_semaphore(%arg14 : memref<!tpu.dma_semaphore, #tpu.memory_space<semaphore_mem>>)
      } else {
      }
    }
    %scan3A_130 = arith.constant 16 : i32
    %add3A_131 = arith.constant 120 : i32
    %add3A_132 = arith.addi %mul3A_2, %add3A_131 : i32
    %mul3A_133 = arith.constant 128 : i32
    %mul3A_134 = arith.muli %mul3A_133, %shift_right_arithmetic3A_11 : i32
    %dma_wait3A = tpu.memref_slice %arg5[%add3A_132, %mul3A_134] : memref<4096x8192xf32, #tpu.memory_space<hbm>> -> memref<8x4224xf32, #tpu.memory_space<hbm>>
    %dma_wait3A_135 = tpu.memref_slice %arg5[%add3A_132, %mul3A_134] : memref<4096x8192xf32, #tpu.memory_space<hbm>> -> memref<8x4224xf32, #tpu.memory_space<hbm>>
    tpu.wait_dma2 semaphore(%arg13 : memref<!tpu.dma_semaphore, #tpu.memory_space<semaphore_mem>>) src(%arg7 : memref<8x4224xf32, #tpu.memory_space<vmem>>) dst(%dma_wait3A_135 : memref<8x4224xf32, #tpu.memory_space<hbm>>)
    %add3A_136 = arith.constant 120 : i32
    %add3A_137 = arith.addi %mul3A_2, %add3A_136 : i32
    %convert_element_type3A = arith.extui %ne3A_19 : i1 to i32
    %cond3A = arith.constant 0 : i32
    %cond3A_138 = arith.constant 0 : i32
    %cond3A_139 = arith.cmpi ne, %convert_element_type3A, %cond3A_138 : i32
    scf.if %cond3A_139 {
      %dma_wait3A_176 = tpu.memref_slice %arg5[%add3A_137, %mul3A_16] : memref<4096x8192xf32, #tpu.memory_space<hbm>> -> memref<8x2048xf32, #tpu.memory_space<hbm>>
      %dma_wait3A_177 = arith.constant 0 : i32
      %dma_wait3A_178 = arith.constant 0 : i32
      %dma_wait3A_179 = tpu.memref_slice %arg9[%arg1, %cond3A, %dma_wait3A_177, %dma_wait3A_178] : memref<16x1x8x3968xf32, #tpu.memory_space<vmem_shared>> -> memref<1x1x8x3968xf32, #tpu.memory_space<vmem_shared>>
      %dma_wait3A_180 = tpu.memref_squeeze %dma_wait3A_179 : memref<1x1x8x3968xf32, #tpu.memory_space<vmem_shared>> -> memref<8x3968xf32, #tpu.memory_space<vmem_shared>>
      %dma_wait3A_181 = arith.constant 0 : i32
      %dma_wait3A_182 = tpu.memref_slice %dma_wait3A_180[%dma_wait3A_181, %mul3A_16] : memref<8x3968xf32, #tpu.memory_space<vmem_shared>> -> memref<8x2048xf32, #tpu.memory_space<vmem_shared>>
      tpu.wait_dma2 semaphore(%arg14 : memref<!tpu.dma_semaphore, #tpu.memory_space<semaphore_mem>>) src(%dma_wait3A_182 : memref<8x2048xf32, #tpu.memory_space<vmem_shared>>) dst(%dma_wait3A_176 : memref<8x2048xf32, #tpu.memory_space<hbm>>)
    } else {
    }
    %convert_element_type3A_140 = arith.extui %ne3A_31 : i1 to i32
    %cond3A_141 = arith.constant 0 : i32
    %cond3A_142 = arith.constant 0 : i32
    %cond3A_143 = arith.cmpi ne, %convert_element_type3A_140, %cond3A_142 : i32
    scf.if %cond3A_143 {
      %dma_wait3A_176 = tpu.memref_slice %arg5[%add3A_137, %mul3A_27] : memref<4096x8192xf32, #tpu.memory_space<hbm>> -> memref<8x2048xf32, #tpu.memory_space<hbm>>
      %dma_wait3A_177 = arith.constant 0 : i32
      %dma_wait3A_178 = arith.constant 0 : i32
      %dma_wait3A_179 = tpu.memref_slice %arg9[%arg1, %cond3A_141, %dma_wait3A_177, %dma_wait3A_178] : memref<16x1x8x3968xf32, #tpu.memory_space<vmem_shared>> -> memref<1x1x8x3968xf32, #tpu.memory_space<vmem_shared>>
      %dma_wait3A_180 = tpu.memref_squeeze %dma_wait3A_179 : memref<1x1x8x3968xf32, #tpu.memory_space<vmem_shared>> -> memref<8x3968xf32, #tpu.memory_space<vmem_shared>>
      %dma_wait3A_181 = arith.constant 0 : i32
      %dma_wait3A_182 = tpu.memref_slice %dma_wait3A_180[%dma_wait3A_181, %sub3A_33] : memref<8x3968xf32, #tpu.memory_space<vmem_shared>> -> memref<8x2048xf32, #tpu.memory_space<vmem_shared>>
      tpu.wait_dma2 semaphore(%arg14 : memref<!tpu.dma_semaphore, #tpu.memory_space<semaphore_mem>>) src(%dma_wait3A_182 : memref<8x2048xf32, #tpu.memory_space<vmem_shared>>) dst(%dma_wait3A_176 : memref<8x2048xf32, #tpu.memory_space<hbm>>)
    } else {
    }
    %convert_element_type3A_144 = arith.extui %ne3A_41 : i1 to i32
    %cond3A_145 = arith.constant 0 : i32
    %cond3A_146 = arith.constant 0 : i32
    %cond3A_147 = arith.cmpi ne, %convert_element_type3A_144, %cond3A_146 : i32
    scf.if %cond3A_147 {
      %dma_wait3A_176 = tpu.memref_slice %arg5[%add3A_137, %mul3A_37] : memref<4096x8192xf32, #tpu.memory_space<hbm>> -> memref<8x1024xf32, #tpu.memory_space<hbm>>
      %dma_wait3A_177 = arith.constant 0 : i32
      %dma_wait3A_178 = arith.constant 0 : i32
      %dma_wait3A_179 = tpu.memref_slice %arg9[%arg1, %cond3A_145, %dma_wait3A_177, %dma_wait3A_178] : memref<16x1x8x3968xf32, #tpu.memory_space<vmem_shared>> -> memref<1x1x8x3968xf32, #tpu.memory_space<vmem_shared>>
      %dma_wait3A_180 = tpu.memref_squeeze %dma_wait3A_179 : memref<1x1x8x3968xf32, #tpu.memory_space<vmem_shared>> -> memref<8x3968xf32, #tpu.memory_space<vmem_shared>>
      %dma_wait3A_181 = arith.constant 0 : i32
      %dma_wait3A_182 = tpu.memref_slice %dma_wait3A_180[%dma_wait3A_181, %mul3A_37] : memref<8x3968xf32, #tpu.memory_space<vmem_shared>> -> memref<8x1024xf32, #tpu.memory_space<vmem_shared>>
      tpu.wait_dma2 semaphore(%arg14 : memref<!tpu.dma_semaphore, #tpu.memory_space<semaphore_mem>>) src(%dma_wait3A_182 : memref<8x1024xf32, #tpu.memory_space<vmem_shared>>) dst(%dma_wait3A_176 : memref<8x1024xf32, #tpu.memory_space<hbm>>)
    } else {
    }
    %convert_element_type3A_148 = arith.extui %ne3A_54 : i1 to i32
    %cond3A_149 = arith.constant 0 : i32
    %cond3A_150 = arith.constant 0 : i32
    %cond3A_151 = arith.cmpi ne, %convert_element_type3A_148, %cond3A_150 : i32
    scf.if %cond3A_151 {
      %dma_wait3A_176 = tpu.memref_slice %arg5[%add3A_137, %mul3A_50] : memref<4096x8192xf32, #tpu.memory_space<hbm>> -> memref<8x1024xf32, #tpu.memory_space<hbm>>
      %dma_wait3A_177 = arith.constant 0 : i32
      %dma_wait3A_178 = arith.constant 0 : i32
      %dma_wait3A_179 = tpu.memref_slice %arg9[%arg1, %cond3A_149, %dma_wait3A_177, %dma_wait3A_178] : memref<16x1x8x3968xf32, #tpu.memory_space<vmem_shared>> -> memref<1x1x8x3968xf32, #tpu.memory_space<vmem_shared>>
      %dma_wait3A_180 = tpu.memref_squeeze %dma_wait3A_179 : memref<1x1x8x3968xf32, #tpu.memory_space<vmem_shared>> -> memref<8x3968xf32, #tpu.memory_space<vmem_shared>>
      %dma_wait3A_181 = arith.constant 0 : i32
      %dma_wait3A_182 = tpu.memref_slice %dma_wait3A_180[%dma_wait3A_181, %sub3A_56] : memref<8x3968xf32, #tpu.memory_space<vmem_shared>> -> memref<8x1024xf32, #tpu.memory_space<vmem_shared>>
      tpu.wait_dma2 semaphore(%arg14 : memref<!tpu.dma_semaphore, #tpu.memory_space<semaphore_mem>>) src(%dma_wait3A_182 : memref<8x1024xf32, #tpu.memory_space<vmem_shared>>) dst(%dma_wait3A_176 : memref<8x1024xf32, #tpu.memory_space<hbm>>)
    } else {
    }
    %convert_element_type3A_152 = arith.extui %ne3A_64 : i1 to i32
    %cond3A_153 = arith.constant 0 : i32
    %cond3A_154 = arith.constant 0 : i32
    %cond3A_155 = arith.cmpi ne, %convert_element_type3A_152, %cond3A_154 : i32
    scf.if %cond3A_155 {
      %dma_wait3A_176 = tpu.memref_slice %arg5[%add3A_137, %mul3A_60] : memref<4096x8192xf32, #tpu.memory_space<hbm>> -> memref<8x512xf32, #tpu.memory_space<hbm>>
      %dma_wait3A_177 = arith.constant 0 : i32
      %dma_wait3A_178 = arith.constant 0 : i32
      %dma_wait3A_179 = tpu.memref_slice %arg9[%arg1, %cond3A_153, %dma_wait3A_177, %dma_wait3A_178] : memref<16x1x8x3968xf32, #tpu.memory_space<vmem_shared>> -> memref<1x1x8x3968xf32, #tpu.memory_space<vmem_shared>>
      %dma_wait3A_180 = tpu.memref_squeeze %dma_wait3A_179 : memref<1x1x8x3968xf32, #tpu.memory_space<vmem_shared>> -> memref<8x3968xf32, #tpu.memory_space<vmem_shared>>
      %dma_wait3A_181 = arith.constant 0 : i32
      %dma_wait3A_182 = tpu.memref_slice %dma_wait3A_180[%dma_wait3A_181, %mul3A_60] : memref<8x3968xf32, #tpu.memory_space<vmem_shared>> -> memref<8x512xf32, #tpu.memory_space<vmem_shared>>
      tpu.wait_dma2 semaphore(%arg14 : memref<!tpu.dma_semaphore, #tpu.memory_space<semaphore_mem>>) src(%dma_wait3A_182 : memref<8x512xf32, #tpu.memory_space<vmem_shared>>) dst(%dma_wait3A_176 : memref<8x512xf32, #tpu.memory_space<hbm>>)
    } else {
    }
    %convert_element_type3A_156 = arith.extui %ne3A_77 : i1 to i32
    %cond3A_157 = arith.constant 0 : i32
    %cond3A_158 = arith.constant 0 : i32
    %cond3A_159 = arith.cmpi ne, %convert_element_type3A_156, %cond3A_158 : i32
    scf.if %cond3A_159 {
      %dma_wait3A_176 = tpu.memref_slice %arg5[%add3A_137, %mul3A_73] : memref<4096x8192xf32, #tpu.memory_space<hbm>> -> memref<8x512xf32, #tpu.memory_space<hbm>>
      %dma_wait3A_177 = arith.constant 0 : i32
      %dma_wait3A_178 = arith.constant 0 : i32
      %dma_wait3A_179 = tpu.memref_slice %arg9[%arg1, %cond3A_157, %dma_wait3A_177, %dma_wait3A_178] : memref<16x1x8x3968xf32, #tpu.memory_space<vmem_shared>> -> memref<1x1x8x3968xf32, #tpu.memory_space<vmem_shared>>
      %dma_wait3A_180 = tpu.memref_squeeze %dma_wait3A_179 : memref<1x1x8x3968xf32, #tpu.memory_space<vmem_shared>> -> memref<8x3968xf32, #tpu.memory_space<vmem_shared>>
      %dma_wait3A_181 = arith.constant 0 : i32
      %dma_wait3A_182 = tpu.memref_slice %dma_wait3A_180[%dma_wait3A_181, %sub3A_79] : memref<8x3968xf32, #tpu.memory_space<vmem_shared>> -> memref<8x512xf32, #tpu.memory_space<vmem_shared>>
      tpu.wait_dma2 semaphore(%arg14 : memref<!tpu.dma_semaphore, #tpu.memory_space<semaphore_mem>>) src(%dma_wait3A_182 : memref<8x512xf32, #tpu.memory_space<vmem_shared>>) dst(%dma_wait3A_176 : memref<8x512xf32, #tpu.memory_space<hbm>>)
    } else {
    }
    %convert_element_type3A_160 = arith.extui %ne3A_87 : i1 to i32
    %cond3A_161 = arith.constant 0 : i32
    %cond3A_162 = arith.constant 0 : i32
    %cond3A_163 = arith.cmpi ne, %convert_element_type3A_160, %cond3A_162 : i32
    scf.if %cond3A_163 {
      %dma_wait3A_176 = tpu.memref_slice %arg5[%add3A_137, %mul3A_83] : memref<4096x8192xf32, #tpu.memory_space<hbm>> -> memref<8x256xf32, #tpu.memory_space<hbm>>
      %dma_wait3A_177 = arith.constant 0 : i32
      %dma_wait3A_178 = arith.constant 0 : i32
      %dma_wait3A_179 = tpu.memref_slice %arg9[%arg1, %cond3A_161, %dma_wait3A_177, %dma_wait3A_178] : memref<16x1x8x3968xf32, #tpu.memory_space<vmem_shared>> -> memref<1x1x8x3968xf32, #tpu.memory_space<vmem_shared>>
      %dma_wait3A_180 = tpu.memref_squeeze %dma_wait3A_179 : memref<1x1x8x3968xf32, #tpu.memory_space<vmem_shared>> -> memref<8x3968xf32, #tpu.memory_space<vmem_shared>>
      %dma_wait3A_181 = arith.constant 0 : i32
      %dma_wait3A_182 = tpu.memref_slice %dma_wait3A_180[%dma_wait3A_181, %mul3A_83] : memref<8x3968xf32, #tpu.memory_space<vmem_shared>> -> memref<8x256xf32, #tpu.memory_space<vmem_shared>>
      tpu.wait_dma2 semaphore(%arg14 : memref<!tpu.dma_semaphore, #tpu.memory_space<semaphore_mem>>) src(%dma_wait3A_182 : memref<8x256xf32, #tpu.memory_space<vmem_shared>>) dst(%dma_wait3A_176 : memref<8x256xf32, #tpu.memory_space<hbm>>)
    } else {
    }
    %convert_element_type3A_164 = arith.extui %ne3A_100 : i1 to i32
    %cond3A_165 = arith.constant 0 : i32
    %cond3A_166 = arith.constant 0 : i32
    %cond3A_167 = arith.cmpi ne, %convert_element_type3A_164, %cond3A_166 : i32
    scf.if %cond3A_167 {
      %dma_wait3A_176 = tpu.memref_slice %arg5[%add3A_137, %mul3A_96] : memref<4096x8192xf32, #tpu.memory_space<hbm>> -> memref<8x256xf32, #tpu.memory_space<hbm>>
      %dma_wait3A_177 = arith.constant 0 : i32
      %dma_wait3A_178 = arith.constant 0 : i32
      %dma_wait3A_179 = tpu.memref_slice %arg9[%arg1, %cond3A_165, %dma_wait3A_177, %dma_wait3A_178] : memref<16x1x8x3968xf32, #tpu.memory_space<vmem_shared>> -> memref<1x1x8x3968xf32, #tpu.memory_space<vmem_shared>>
      %dma_wait3A_180 = tpu.memref_squeeze %dma_wait3A_179 : memref<1x1x8x3968xf32, #tpu.memory_space<vmem_shared>> -> memref<8x3968xf32, #tpu.memory_space<vmem_shared>>
      %dma_wait3A_181 = arith.constant 0 : i32
      %dma_wait3A_182 = tpu.memref_slice %dma_wait3A_180[%dma_wait3A_181, %sub3A_102] : memref<8x3968xf32, #tpu.memory_space<vmem_shared>> -> memref<8x256xf32, #tpu.memory_space<vmem_shared>>
      tpu.wait_dma2 semaphore(%arg14 : memref<!tpu.dma_semaphore, #tpu.memory_space<semaphore_mem>>) src(%dma_wait3A_182 : memref<8x256xf32, #tpu.memory_space<vmem_shared>>) dst(%dma_wait3A_176 : memref<8x256xf32, #tpu.memory_space<hbm>>)
    } else {
    }
    %convert_element_type3A_168 = arith.extui %ne3A_110 : i1 to i32
    %cond3A_169 = arith.constant 0 : i32
    %cond3A_170 = arith.constant 0 : i32
    %cond3A_171 = arith.cmpi ne, %convert_element_type3A_168, %cond3A_170 : i32
    scf.if %cond3A_171 {
      %dma_wait3A_176 = tpu.memref_slice %arg5[%add3A_137, %mul3A_106] : memref<4096x8192xf32, #tpu.memory_space<hbm>> -> memref<8x128xf32, #tpu.memory_space<hbm>>
      %dma_wait3A_177 = arith.constant 0 : i32
      %dma_wait3A_178 = arith.constant 0 : i32
      %dma_wait3A_179 = tpu.memref_slice %arg9[%arg1, %cond3A_169, %dma_wait3A_177, %dma_wait3A_178] : memref<16x1x8x3968xf32, #tpu.memory_space<vmem_shared>> -> memref<1x1x8x3968xf32, #tpu.memory_space<vmem_shared>>
      %dma_wait3A_180 = tpu.memref_squeeze %dma_wait3A_179 : memref<1x1x8x3968xf32, #tpu.memory_space<vmem_shared>> -> memref<8x3968xf32, #tpu.memory_space<vmem_shared>>
      %dma_wait3A_181 = arith.constant 0 : i32
      %dma_wait3A_182 = tpu.memref_slice %dma_wait3A_180[%dma_wait3A_181, %mul3A_106] : memref<8x3968xf32, #tpu.memory_space<vmem_shared>> -> memref<8x128xf32, #tpu.memory_space<vmem_shared>>
      tpu.wait_dma2 semaphore(%arg14 : memref<!tpu.dma_semaphore, #tpu.memory_space<semaphore_mem>>) src(%dma_wait3A_182 : memref<8x128xf32, #tpu.memory_space<vmem_shared>>) dst(%dma_wait3A_176 : memref<8x128xf32, #tpu.memory_space<hbm>>)
    } else {
    }
    %convert_element_type3A_172 = arith.extui %ne3A_123 : i1 to i32
    %cond3A_173 = arith.constant 0 : i32
    %cond3A_174 = arith.constant 0 : i32
    %cond3A_175 = arith.cmpi ne, %convert_element_type3A_172, %cond3A_174 : i32
    scf.if %cond3A_175 {
      %dma_wait3A_176 = tpu.memref_slice %arg5[%add3A_137, %mul3A_119] : memref<4096x8192xf32, #tpu.memory_space<hbm>> -> memref<8x128xf32, #tpu.memory_space<hbm>>
      %dma_wait3A_177 = arith.constant 0 : i32
      %dma_wait3A_178 = arith.constant 0 : i32
      %dma_wait3A_179 = tpu.memref_slice %arg9[%arg1, %cond3A_173, %dma_wait3A_177, %dma_wait3A_178] : memref<16x1x8x3968xf32, #tpu.memory_space<vmem_shared>> -> memref<1x1x8x3968xf32, #tpu.memory_space<vmem_shared>>
      %dma_wait3A_180 = tpu.memref_squeeze %dma_wait3A_179 : memref<1x1x8x3968xf32, #tpu.memory_space<vmem_shared>> -> memref<8x3968xf32, #tpu.memory_space<vmem_shared>>
      %dma_wait3A_181 = arith.constant 0 : i32
      %dma_wait3A_182 = tpu.memref_slice %dma_wait3A_180[%dma_wait3A_181, %sub3A_125] : memref<8x3968xf32, #tpu.memory_space<vmem_shared>> -> memref<8x128xf32, #tpu.memory_space<vmem_shared>>
      tpu.wait_dma2 semaphore(%arg14 : memref<!tpu.dma_semaphore, #tpu.memory_space<semaphore_mem>>) src(%dma_wait3A_182 : memref<8x128xf32, #tpu.memory_space<vmem_shared>>) dst(%dma_wait3A_176 : memref<8x128xf32, #tpu.memory_space<hbm>>)
    } else {
    }
    return
  }
}

</mosaic_0001>

<sc_bundles>
// kernel: kernel.3.cloned.1.call-start
scs
__scs_entry_jumppad:
0x0: {  	(pc) =	sbr.rel $0x88, $3  }
0x1: {  	(tag) =	ssettag $0x0;
	lr =	simm.s32 $0x1  }
0x2: {  	[smem:$0x3F9E] =	sst lr;
	_ =	strace $0xD0000000  }
0x3: {  	_ = 	snop  }
0x4: {  	_ = 	snop  }
0x5: {  	_ = 	snop  }
0x6: {  	_ = 	snop  }
0x7: {  	_ = 	snop  }
__scs_overlays_trampoline_lowered:
0x8: {  	[smem:$0x3FAD] =	sst s0  }
0x9: {  	[smem:$0x3FAE] =	sst s1  }
0xa: {  	[smem:$0x3FAF] =	sst s2  }
0xb: {  	[smem:$0x3FB0] =	sst s3  }
0xc: {  	[smem:$0x3FB1] =	sst s4  }
0xd: {  	[smem:$0x3FB2] =	sst s5  }
0xe: {  	[smem:$0x3FB3] =	sst s6  }
0xf: {  	[smem:$0x3FB4] =	sst s7  }
0x10: {  	[smem:$0x3FB5] =	sst s8  }
0x11: {  	[smem:$0x3FB6] =	sst s9;
	s0 =	simm.s32 @!p0 $0x0  }
0x12: {  	s1 =	sld [smem:$0x3F9C];
	s0 =	simm.s32 @p0 $0x1  }
0x13: {  	[smem:$0x3FB7] =	sst s0;
	s0 =	simm.s32 @!p1 $0x0  }
0x14: {  	s2 =	sld [smem:$0x3F9B];
	s0 =	simm.s32 @p1 $0x1  }
0x15: {  	[smem:$0x3FB8] =	sst s0;
	s0 =	simm.s32 @!p2 $0x0  }
0x16: {  	s3 =	sld [smem:$0x3FDB];
	s0 =	simm.s32 @p2 $0x1  }
0x17: {  	s4 =	simm.s32 $0x1BF5;
	[smem:$0x3FBA] =	sst s0  }
0x18: {  	s0 =	sld [smem:$0x3F9D];
	_ =	swait.ge [sflag:s4], $0x0  }
0x19: {  	s7 =	sld [smem:$0x3F9E]  }
0x1a: {  	s8 =	sadd.s32 $0xFFFFE003, lr  }
0x1b: {  	s9 =	sadd.s32 $0xFFFFFEF7, lr;
	s5 =	simm.s32 $0xFFFFFFFF;
	p2 =	slt.u32 s8, $0xFFFFF086  }
0x1c: {  	p1 =	slt.u32 s9, $0xF7A;
	s5 =	simm.s32 @!p2 $0x0  }
0x1d: {  	s5 =	simm.s32 @p1 $0x1;
	p0 =	seq.s32 s7, s2  }
0x1e: {  	s7 =	smul.u32 @!p0 $0xF7A, s2;
	p2 =	seq.s32 @!p0 s5, $0x0  }
0x1f: {  	s9 =	smul.u32 $0xF7A, s1;
	s8 =	simm.s32 @!p0 $0x1BF5;
	p2 =	por !p2, p0  }
0x20: {  	[sflag:s8] =	ssyncset.s32 @!p0 $0xFFFFF086;
	s6 =	sadd.s32 @!p0 s3, s7;
	s7 =	simm.s32 @!p0 $0x108  }
0x21: {  	s3 =	sadd.s32 s3, s9;
	s6 =	sadd.s32 @!p0 $0x88, s6;
	s7 =	simm.s32 @p2 $0x1082  }
0x22: {  	[simem:s7], [sflag:s8] =	dma.local @!p0 [hbm:s6], $0xF7A  }
0x23: {  	s9 =	sor.u32 $0xD0000000, s2;
	s6 =	simm.s32 $0x108;
	_ =	swait.ge @!p0 [sflag:s8], $0x0  }
0x24: {  	s3 =	sadd.s32 $0x88, s3;
	s6 =	simm.s32 @!p1 $0x1082;
	[sflag:s4] =	ssyncset.s32 $0xFFFFF086  }
0x25: {  	[simem:s6], [sflag:s4] =	dma.local [hbm:s3], $0xF7A  }
0x26: {  	[smem:$0x3F9E] =	sst s1;
	(tag) =	ssettag s2;
	_ =	strace s9  }
0x27: {  	s1 =	sld [smem:$0x3FAE]  }
0x28: {  	s2 =	sld [smem:$0x3FAF]  }
0x29: {  	s4 =	sld [smem:$0x3FB1]  }
0x2a: {  	p0 =	seq.s32 s5, $0x0;
	s5 =	sld [smem:$0x3FB2]  }
0x2b: {  	s6 =	sld [smem:$0x3FB3]  }
0x2c: {  	s7 =	sld [smem:$0x3FB4]  }
0x2d: {  	s3 =	simm.s32 $0x108;
	s8 =	sld [smem:$0x3FB5]  }
0x2e: {  	s3 =	simm.s32 @!p0 $0x1082;
	s9 =	sld [smem:$0x3FB6]  }
0x2f: {  	lr =	sadd.s32 s0, s3;
	s0 =	sld [smem:$0x3FAD]  }
0x30: {  	s3 =	sld [smem:$0x3FB0]  }
0x31: {  	[smem:$0x3FB9] =	sst s10  }
0x32: {  	s10 =	sld [smem:$0x3FB7];
	_ =	sdelay $0x3  }
0x33: {  	p0 =	seq.s32 s10, $0x1;
	s10 =	sld [smem:$0x3FB9];
	_ =	sdelay $0x3  }
0x34: {  	[smem:$0x3FB9] =	sst s10  }
0x35: {  	s10 =	sld [smem:$0x3FB8];
	_ =	sdelay $0x3  }
0x36: {  	p1 =	seq.s32 s10, $0x1;
	s10 =	sld [smem:$0x3FB9];
	_ =	sdelay $0x3  }
0x37: {  	[smem:$0x3FB9] =	sst s10  }
0x38: {  	s10 =	sld [smem:$0x3FBA]  }
0x39: {  	_ = 	snop;
	(pc) =	sbr.ind lr, $3  }
0x3a: {  	_ = 	snop  }
0x3b: {  	_ = 	snop  }
0x3c: {  	p2 =	seq.s32 s10, $0x1;
	s10 =	sld [smem:$0x3FB9]  }
0x3d: {  	_ =	shalt  }
0x3e: {  	_ =	shalt  }
0x3f: {  	_ =	shalt  }
0x40: {  	_ =	shalt  }
0x41: {  	_ =	shalt  }
0x42: {  	_ =	shalt  }
0x43: {  	_ =	shalt  }
0x44: {  	_ =	shalt  }
0x45: {  	_ =	shalt  }
0x46: {  	_ =	shalt  }
0x47: {  	_ =	shalt  }
0x48: {  	_ =	shalt  }
0x49: {  	_ =	shalt  }
0x4a: {  	_ =	shalt  }
0x4b: {  	_ =	shalt  }
0x4c: {  	_ =	shalt  }
0x4d: {  	_ =	shalt  }
0x4e: {  	_ =	shalt  }
0x4f: {  	_ =	shalt  }
0x50: {  	_ =	shalt  }
0x51: {  	_ =	shalt  }
0x52: {  	_ =	shalt  }
0x53: {  	_ =	shalt  }
0x54: {  	_ =	shalt  }
0x55: {  	_ =	shalt  }
0x56: {  	_ =	shalt  }
0x57: {  	_ =	shalt  }
0x58: {  	_ =	shalt  }
0x59: {  	_ =	shalt  }
0x5a: {  	_ =	shalt  }
0x5b: {  	_ =	shalt  }
0x5c: {  	_ =	shalt  }
0x5d: {  	_ =	shalt  }
0x5e: {  	_ =	shalt  }
0x5f: {  	_ =	shalt  }
0x60: {  	_ =	shalt  }
0x61: {  	_ =	shalt  }
0x62: {  	_ =	shalt  }
0x63: {  	_ =	shalt  }
0x64: {  	_ =	shalt  }
0x65: {  	_ =	shalt  }
0x66: {  	_ =	shalt  }
0x67: {  	_ =	shalt  }
0x68: {  	_ =	shalt  }
0x69: {  	_ =	shalt  }
0x6a: {  	_ =	shalt  }
0x6b: {  	_ =	shalt  }
0x6c: {  	_ =	shalt  }
0x6d: {  	_ =	shalt  }
0x6e: {  	_ =	shalt  }
0x6f: {  	_ =	shalt  }
0x70: {  	_ =	shalt  }
0x71: {  	_ =	shalt  }
0x72: {  	_ =	shalt  }
0x73: {  	_ =	shalt  }
0x74: {  	_ =	shalt  }
0x75: {  	_ =	shalt  }
0x76: {  	_ =	shalt  }
0x77: {  	_ =	shalt  }
0x78: {  	_ =	shalt  }
0x79: {  	_ =	shalt  }
0x7a: {  	_ =	shalt  }
0x7b: {  	_ =	shalt  }
0x7c: {  	_ =	shalt  }
0x7d: {  	_ =	shalt  }
0x7e: {  	_ =	shalt  }
0x7f: {  	_ =	shalt  }
0x80: {  	_ =	shalt  }
0x81: {  	_ =	shalt  }
0x82: {  	_ =	shalt  }
0x83: {  	_ =	shalt  }
0x84: {  	_ =	shalt  }
0x85: {  	_ =	shalt  }
0x86: {  	_ =	shalt  }
0x87: {  	_ =	shalt  }
.Lfunc_end0:
.L_simem_size_0:
called_computation_lowered:
.L_overlay_start_0:
0x88: {  	s2 =	sld [smem:$0x3FD9]  }
0x89: {  	s3 =	sld [smem:$0x3FFE];
	_ =	sdelay $0x1  }
0x8a: {  	s1 =	srdreg.scid  }
0x8b: {  	s0 =	sand.u32 $0x1, s1  }
0x8c: {  	s17 =	sshll.u32 s0, $0xA;
	s2 =	sadd.s32 s3, s2  }
0x8d: {  	s2 =	sadd.s32 s2, s17  }
0x8e: {  	[smem:$0x3FC5] =	sst s2  }
0x8f: {  	_ = 	snop  }
0x90: {  	s2 =	sld [smem:$0x3FC9]  }
0x91: {  	s18 =	sld [smem:$0x3FC8]  }
0x92: {  	s4 =	sld [smem:$0x3FD0];
	(tm) =	ssettm $0x1  }
0x93: {  	s5 =	sld [smem:$0x3FFB];
	_ =	sdelay $0x3  }
0x94: {  	_ =	strace s5  }
0x95: {  	s5 =	sld [smem:$0x3FFC];
	_ =	sdelay $0x3  }
0x96: {  	_ =	strace s5  }
0x97: {  	s5 =	sld [smem:$0x3FFD];
	_ =	sdelay $0x3  }
0x98: {  	_ =	strace s5  }
0x99: {  	_ =	strace $0x8FFFFFFF  }
0x9a: {  	s19 =	sld [smem:$0x3FDB];
	_ =	sdelay $0x1  }
0x9b: {  	s6 =	simm.s32 $_scs_section_size  }
0x9c: {  	s7 =	simm.s32 $_size__tile_overlayer_lowered;
	s8 =	simm.s32 $_tile_overlayer_lowered  }
0x9d: {  	s22 =	simm.s32 $0x1BFF;
	s21 =	sshll.u32 s8, $0x1;
	s5 =	sadd.s32 s6, s19  }
0x9e: {  	s9 =	simm.s32 $0x0;
	s20 =	sshll.u32 s7, $0x1;
	s7 =	sadd.s32 s21, s5  }
0x9f: {  	[timem:s9], [sflag:s22] =	dma.local [hbm:s7], s20  }
0xa0: {  	_ =	swait.ge [sflag:s22], s20  }
0xa1: {  	s6 =	ssub.s32 $0x0, s20;
	[sflag:s22] =	ssyncset.done $0x0  }
0xa2: {  	[sflag:s22] =	ssyncadd.s32 s6;
	_ =	sdelay $0x1  }
0xa3: {  	s23 =	simm.s32 $0x1B8B  }
0xa4: {  	_ =	swait.ge [sflag:s23], $0x1  }
0xa5: {  	[sflag:s23] =	ssyncset.done $0x0  }
0xa6: {  	s25 =	simm.s32 $0x1B8E;
	s24 =	sld [smem:$0x3FFE];
	[sflag:s23] =	ssyncadd.s32 $0xFFFFFFFF  }
0xa7: {  	s26 =	simm.s32 $execute0_lowered;
	[smem:$0x3FD2] =	sst s25  }
0xa8: {  	s7 =	sshll.u32 s26, $0x1;
	_ =	strace $0x80000046;
	[dreg:$0x1] =	wrdreg $0xFFFFFFFF  }
0xa9: {  	s28 =	simm.s32 $_size_execute0_lowered;
	s5 =	sadd.s32 s5, s7;
	[dreg:$0x0] =	wrdreg $0x0  }
0xaa: {  	s7 =	sshll.u32 s28, $0x1;
	[dreg:$0x2] =	wrdreg s5  }
0xab: {  	[dreg:$0x3] =	wrdreg s7  }
0xac: {  	[dreg:$0x4] =	wrdreg $0xC0  }
0xad: {  	_ =	task [dreg:s9], $0x5FFFF  }
0xae: {  	[dreg:$0x1] =	wrdreg $0xFFFFFFFF  }
0xaf: {  	[dreg:$0x0] =	wrdreg $0x60  }
0xb0: {  	[dreg:$0x2] =	wrdreg s2  }
0xb1: {  	[dreg:$0x3] =	wrdreg s18  }
0xb2: {  	[dreg:$0x4] =	wrdreg s24  }
0xb3: {  	[dreg:$0x5] =	wrdreg s4  }
0xb4: {  	[dreg:$0x6] =	wrdreg $0x104800  }
0xb5: {  	[dreg:$0x7] =	wrdreg $0x9  }
0xb6: {  	_ =	task.clear_ibuf [dreg:s9], $0x8FFFF;
	_ =	strace $0x90000046  }
0xb7: {  	s29 =	simm.s32 $0x9;
	_ =	strace $0x80000048  }
0xb8: {  	_ =	swait.ge [sflag:s29], $0x1  }
0xb9: {  	[sflag:s29] =	ssyncadd.s32 $0xFFFFFFFF  }
0xba: {  	_ =	strace $0x90000048  }
0xbb: {  	_ =	sfence  }
0xbc: {  	s30 =	sld [smem:$0x0];
	_ =	sdelay $0x2  }
0xbd: {  	s31 =	sshll.u32 s1, $0xD;
	s1 =	sshrl.u32 s1, $0x2  }
0xbe: {  	s3 =	sand.u32 $0x4000, s31;
	s1 =	sadd.s32 s1, s30  }
0xbf: {  	s0 =	sor.u32 s3, s0;
	s1 =	sshll.u32 s1, $0x11  }
0xc0: {  	s0 =	sor.u32 s1, s0  }
0xc1: {  	s0 =	sadd.s32 $0x8F2B, s0  }
0xc2: {  	[sflag:s0] =	ssyncadd.remote.s32 $0x1  }
0xc3: {  	_ =	sfence.sel $0xFFFF  }
0xc4: {  	[dreg:$0x0] =	wrdreg $0xFFFFFFFF;
	(pc) =	sbr.abs _section_cstart, $3  }
0xc5: {  	[dreg:$0x1] =	wrdreg $0xFFFFFFFF  }
0xc6: {  	_ =	task.clear_ibuf [dreg:s9], $0x2FFFF;
	_ =	strace $0x9FFFFFFF  }
0xc7: {  	(tm) =	ssettm $0x7FFFFFFF  }
tec
execute0_lowered:
.L_overlay_start_1:
0x0: {  	(tag) =	ssettag $0x1  }
0x1: {  	s1 =	rddreg [dreg:$0x0]  }
0x2: {  	s0 =	rddreg [dreg:$0x2]  }
0x3: {  	s3 =	rddreg [dreg:$0x3]  }
0x4: {  	s2 =	rddreg [dreg:$0x4]  }
0x5: {  	s5 =	srdreg.scid;
	s24 =	simm.s32 $0x0;
	s4 =	stileid.u32  }
0x6: {  	s5 =	sand.u32 $0x1, s5;
	[smem:$0x7FF] =	sst s24;
	s7 =	smul.u32 $0x1F000, s4  }
0x7: {  	s0 =	sadd.s32 $0x400, s0;
	s8 =	sshll.u32 s4, $0x5;
	s6 =	ssub.s32 $0x2, s5  }
0x8: {  	_ =	strace $0x80000047;
	[dreg:$0x6] =	wrdreg s0;
	s5 =	sshll.u32 s5, $0x4  }
0x9: {  	s31 =	sshrl.u32 s6, $0x1;
	s7 =	sshrl.u32 s7, $0x2;
	s5 =	sor.u32 s5, s8  }
0xa: {  	s0 =	ssub.s32 s6, s31;
	[dreg:$0x7] =	wrdreg s5;
	s2 =	sadd.s32 s7, s2  }
0xb: {  	[dreg:$0x8] =	wrdreg s2;
	s0 =	smax.u32 s0, $0x1  }
0xc: {  	s12 =	simm.s32 $0x80;
	v0 =	vlaneseq.u32;
	s5 =	simm.s32 $0x0;
	[dreg:$0x9] =	wrdreg s0  }
.LBB2_1:
0xd: {  	[dreg:$0xa] =	wrdreg s5  }
0xe: {  	s0 =	rddreg [dreg:$0x6];
	s29 =	simm.s32 $0x6  }
0xf: {  	[tilespmem:s24], [sflag:$0x6] =	stream.linear.gather [hbm4b:s0+s24], $0x80, $0x38;
	[tilespmem:$0x18080] =	vst v63  }
0x10: {  	_ =	swait.ge [sflag:s29], $0x80  }
0x11: {  	[sflag:s29] =	ssyncset.done $0x0  }
0x12: {  	[sflag:s29] =	ssyncadd.s32 $0xFFFFFF80  }
0x13: {  	v1 =	vld [tilespmem:$0x0];
	_ =	sdelay $0x4  }
0x14: {  	v1 =	vxor.u32 $0x80000000, v1  }
0x15: {  	(xrf0) =	vmax.scan.msk.u32 $0xffff, v1;
	_ =	sdelay $0x5  }
0x16: {  	v1, _, _ =	vpop (xrf0)  }
0x17: {  	(v2sf) =	vpush v1, $0xF;
	_ =	sdelay $0xe  }
0x18: {  	s30 =	spop (v2sf)  }
0x19: {  	s2 =	sshra.s32 s30, $0x7;
	s19 =	sand.u32 $0x7F, s30  }
0x1a: {  	s9 =	sand.u32 $0x400, s30;
	s10 =	sand.u32 $0xC00, s30;
	s25 =	sand.u32 $0x200, s30  }
0x1b: {  	s15 =	sand.u32 $0xE00, s30;
	s28 =	sand.u32 $0x100, s30;
	[dreg:$0xd] =	wrdreg s9  }
0x1c: {  	s17 =	sand.u32 $0xF00, s30;
	s30 =	sand.u32 $0x80, s30;
	[dreg:$0xf] =	wrdreg s25  }
0x1d: {  	s31 =	ssub.s32 $0x1F, s2;
	s6 =	sadd.s32 $0x21, s2;
	[dreg:$0x11] =	wrdreg s28  }
0x1e: {  	s21 =	sand.u32 $0x10, s2;
	s9 =	sshll.u32 s2, $0xA;
	[dreg:$0x13] =	wrdreg s30  }
0x1f: {  	s20 =	sand.u32 $0x10, s31;
	s8 =	sshll.u32 s6, $0xC;
	[dreg:$0xc] =	wrdreg s21  }
0x20: {  	s23 =	sand.u32 $0x8, s31;
	s18 =	sand.u32 $0x1E, s31;
	[dreg:$0x15] =	wrdreg s9  }
0x21: {  	s11 =	sand.u32 $0x18, s31;
	s0 =	sadd.s32 s6, s18;
	s18 =	rddreg [dreg:$0x8]  }
0x22: {  	s13 =	sand.u32 $0x1C, s31;
	s26 =	sand.u32 $0x4, s31;
	[dreg:$0xb] =	wrdreg s20  }
0x23: {  	s29 =	sand.u32 $0x2, s31;
	s31 =	sand.u32 $0x1, s31;
	[dreg:$0xe] =	wrdreg s23  }
0x24: {  	s7 =	sadd.s32 s6, s20;
	s11 =	sadd.s32 s6, s11;
	[dreg:$0x10] =	wrdreg s26  }
0x25: {  	s13 =	sadd.s32 s6, s13;
	s8 =	sshra.s32 s8, $0x2;
	[dreg:$0x12] =	wrdreg s29  }
0x26: {  	[dreg:$0x14] =	wrdreg s31;
	s22 =	sshll.u32 s7, $0xC;
	s14 =	sshll.u32 s11, $0xC  }
0x27: {  	s16 =	sshll.u32 s13, $0xC;
	s2 =	sadd.s32 s8, s18;
	s8 =	sshll.u32 s6, $0xA  }
0x28: {  	[dreg:$0x16] =	wrdreg s8;
	s2 =	sadd.s32 $0xFFFF7C00, s2;
	s6 =	sshra.s32 s22, $0x2  }
0x29: {  	s8 =	sshll.u32 s7, $0xA;
	s22 =	sshll.u32 s10, $0x3;
	[dreg:$0x17] =	wrdreg s2  }
0x2a: {  	s7 =	sshll.u32 s11, $0xA;
	[dreg:$0x18] =	wrdreg s8;
	s2 =	sadd.s32 s6, s18  }
0x2b: {  	s5 =	sadd.s32 s22, s18;
	s6 =	sshra.s32 s14, $0x2;
	[dreg:$0x1b] =	wrdreg s7  }
0x2c: {  	s14 =	sshra.s32 s16, $0x2;
	s16 =	sshll.u32 s13, $0xA;
	[dreg:$0x1a] =	wrdreg s5  }
0x2d: {  	s22 =	sshll.u32 s0, $0xC;
	s0 =	sshll.u32 s0, $0xA;
	[dreg:$0x1e] =	wrdreg s16  }
0x2e: {  	s8 =	sshll.u32 s15, $0x3;
	s13 =	sadd.s32 s3, s10;
	[smem:$0x7E9] =	sst s0  }
0x2f: {  	s7 =	sshll.u32 s17, $0x3;
	s2 =	sadd.s32 $0xFFFF7C00, s2;
	[smem:$0x7EC] =	sst s13  }
0x30: {  	s11 =	sadd.s32 s8, s18;
	s5 =	sadd.s32 s7, s18;
	[dreg:$0x19] =	wrdreg s2  }
0x31: {  	s2 =	sadd.s32 s6, s18;
	[dreg:$0x1d] =	wrdreg s11;
	s6 =	sshra.s32 s22, $0x2  }
0x32: {  	s16 =	sadd.s32 s1, s17;
	[smem:$0x7E8] =	sst s5;
	s8 =	sadd.s32 s6, s18  }
0x33: {  	p0 =	seq.s32 s21, $0x0;
	[smem:$0x7EF] =	sst s16;
	s0 =	sadd.s32 $0xFFFF7C00, s8  }
0x34: {  	[smem:$0x7EA] =	sst s0;
	s0 =	simm.s32 @!p0 $0x0  }
0x35: {  	s22 =	rddreg [dreg:$0xd];
	s0 =	simm.s32 @p0 $0x1;
	p0 =	seq.s32 s20, $0x0  }
0x36: {  	s17 =	sadd.s32 s3, s17;
	[smem:$0x7F1] =	sst s0;
	s0 =	simm.s32 @!p0 $0x0  }
0x37: {  	[smem:$0x7F0] =	sst s17;
	s0 =	simm.s32 @p0 $0x1;
	p0 =	seq.s32 s22, $0x0  }
0x38: {  	s11 =	sadd.s32 s1, s10;
	[smem:$0x7F2] =	sst s0;
	s0 =	simm.s32 @!p0 $0x0  }
0x39: {  	[smem:$0x7EB] =	sst s11;
	s0 =	simm.s32 @p0 $0x1;
	p0 =	seq.s32 s26, $0x0  }
0x3a: {  	s2 =	sadd.s32 $0xFFFF7C00, s2;
	[smem:$0x7F3] =	sst s0;
	s0 =	simm.s32 @!p0 $0x0  }
0x3b: {  	[dreg:$0x1c] =	wrdreg s2;
	s0 =	simm.s32 @p0 $0x1;
	p0 =	seq.s32 s28, $0x0  }
0x3c: {  	[smem:$0x7F4] =	sst s0;
	s0 =	simm.s32 @!p0 $0x0  }
0x3d: {  	s2 =	sadd.s32 s14, s18;
	s0 =	simm.s32 @p0 $0x1;
	p0 =	seq.s32 s29, $0x0  }
0x3e: {  	s14 =	sadd.s32 s1, s15;
	[smem:$0x7F5] =	sst s0;
	s0 =	simm.s32 @!p0 $0x0  }
0x3f: {  	[smem:$0x7ED] =	sst s14;
	s0 =	simm.s32 @p0 $0x1;
	p0 =	seq.s32 s30, $0x0  }
0x40: {  	s15 =	sadd.s32 s3, s15;
	[smem:$0x7F6] =	sst s0;
	s0 =	simm.s32 @!p0 $0x0  }
0x41: {  	[smem:$0x7EE] =	sst s15;
	s0 =	simm.s32 @p0 $0x1;
	p0 =	seq.s32 s31, $0x0  }
0x42: {  	s2 =	sadd.s32 $0xFFFF7C00, s2;
	[smem:$0x7F7] =	sst s0;
	s0 =	simm.s32 @!p0 $0x0  }
0x43: {  	[dreg:$0x1f] =	wrdreg s2;
	s30 =	sshll.u32 s21, $0xA;
	s0 =	simm.s32 @p0 $0x1  }
0x44: {  	p1 =	seq.s32 s23, $0x0;
	[smem:$0x7F8] =	sst s0;
	s0 =	sadd.s32 s30, s18  }
0x45: {  	[smem:$0x7FB] =	sst s0;
	s0 =	simm.s32 @!p1 $0x0  }
0x46: {  	p2 =	seq.s32 s25, $0x0;
	[smem:$0x7FA] =	sst s30;
	s0 =	simm.s32 @p1 $0x1  }
0x47: {  	s31 =	sadd.s32 $0x8000, s9;
	[smem:$0x7FC] =	sst s0;
	s0 =	simm.s32 @!p2 $0x0  }
0x48: {  	[smem:$0x7F9] =	sst s31;
	s0 =	simm.s32 @p2 $0x1  }
0x49: {  	s21 =	simm.s32 $0x0;
	[smem:$0x7FD] =	sst s0  }
.LBB2_2:
0x4a: {  	s0 =	rddreg [dreg:$0x7]  }
0x4b: {  	s0 =	sadd.s32 s0, s21  }
0x4c: {  	s5 =	rddreg [dreg:$0x1];
	s2 =	sshll.u32 s0, $0xC  }
0x4d: {  	s10 =	simm.s32 $0x8480;
	p5 =	seq.s32 s21, $0x0;
	s2 =	sadd.s32 s5, s2  }
0x4e: {  	[tilespmem:s10], [sflag:$0x2] =	stream.linear.gather [hbm4b:s2+s24], $0x8000, $0x38;
	[tilespmem:$0x18080] =	vst v63  }
0x4f: {  	s2 =	simm.s32 @!p5 $0x4  }
0x50: {  	_ =	swait.ge @!p5 [sflag:s2], $0x8400  }
0x51: {  	s11 =	rddreg [dreg:$0x15]  }
0x52: {  	s6 =	sshll.u32 s0, $0x10;
	s14 =	sld [smem:$0x7F9]  }
0x53: {  	s5 =	sadd.s32 s11, s6  }
0x54: {  	[sflag:s2] =	ssyncset.done @!p5 $0x0;
	s5 =	sshrl.u32 s5, $0x3  }
0x55: {  	[sflag:s2] =	ssyncadd.s32 @!p5 $0xFFFF7C00;
	s13 =	sadd.s32 s1, s5;
	s2 =	sadd.s32 s14, s6  }
0x56: {  	[tilespmem:s12], [sflag:$0x3] =	stream.linear.gather [hbm4b:s13+s24], $0x400, $0x38;
	[tilespmem:$0x18080] =	vst v63  }
0x57: {  	s15 =	simm.s32 $0x8080;
	s2 =	sshrl.u32 s2, $0x3  }
0x58: {  	s16 =	simm.s32 $0x3;
	[smem:$0x7DA] =	sst s5;
	s2 =	sadd.s32 s1, s2  }
0x59: {  	[tilespmem:s15], [sflag:$0x3] =	stream.linear.gather [hbm4b:s2+s24], $0x400, $0x38;
	[tilespmem:$0x18080] =	vst v63  }
0x5a: {  	_ =	swait.ge [sflag:s16], $0x400  }
0x5b: {  	[sflag:s16] =	ssyncset.done $0x0  }
0x5c: {  	[sflag:s16] =	ssyncadd.s32 $0xFFFFFC00  }
0x5d: {  	_ =	swait.ge [sflag:s16], $0x400  }
0x5e: {  	[sflag:s16] =	ssyncset.done $0x0  }
0x5f: {  	s17 =	simm.s32 $0x2;
	[sflag:s16] =	ssyncadd.s32 $0xFFFFFC00  }
0x60: {  	_ =	swait.ge [sflag:s17], $0x8000  }
0x61: {  	s5 =	rddreg [dreg:$0xc]  }
0x62: {  	p0 =	seq.s32 @!p5 s5, $0x0  }
0x63: {  	[sflag:s17] =	ssyncset.done $0x0;
	p0 =	por p0, p5  }
0x64: {  	[sflag:s17] =	ssyncadd.s32 $0xFFFF8000;
	s2 =	simm.s32 @!p0 $0x5  }
0x65: {  	_ =	swait.ge @!p0 [sflag:s2], $0x800  }
0x66: {  	s5 =	rddreg [dreg:$0xb]  }
0x67: {  	p2 =	seq.s32 @!p5 s5, $0x0  }
0x68: {  	[sflag:s2] =	ssyncset.done @!p0 $0x0;
	p2 =	por p2, p5  }
0x69: {  	[sflag:s2] =	ssyncadd.s32 @!p0 $0xFFFFF800;
	s2 =	simm.s32 @!p2 $0x5  }
0x6a: {  	_ =	swait.ge @!p2 [sflag:s2], $0x800  }
0x6b: {  	s5 =	rddreg [dreg:$0xd]  }
0x6c: {  	p0 =	seq.s32 @!p5 s5, $0x0  }
0x6d: {  	[sflag:s2] =	ssyncset.done @!p2 $0x0;
	p0 =	por p0, p5  }
0x6e: {  	[sflag:s2] =	ssyncadd.s32 @!p2 $0xFFFFF800;
	s2 =	simm.s32 @!p0 $0x5  }
0x6f: {  	_ =	swait.ge @!p0 [sflag:s2], $0x400  }
0x70: {  	s5 =	rddreg [dreg:$0xe]  }
0x71: {  	p2 =	seq.s32 @!p5 s5, $0x0  }
0x72: {  	[sflag:s2] =	ssyncset.done @!p0 $0x0;
	p2 =	por p2, p5  }
0x73: {  	[sflag:s2] =	ssyncadd.s32 @!p0 $0xFFFFFC00;
	s2 =	simm.s32 @!p2 $0x5  }
0x74: {  	_ =	swait.ge @!p2 [sflag:s2], $0x400  }
0x75: {  	s5 =	rddreg [dreg:$0xf]  }
0x76: {  	p0 =	seq.s32 @!p5 s5, $0x0  }
0x77: {  	[sflag:s2] =	ssyncset.done @!p2 $0x0;
	p0 =	por p0, p5  }
0x78: {  	[sflag:s2] =	ssyncadd.s32 @!p2 $0xFFFFFC00;
	s2 =	simm.s32 @!p0 $0x5  }
0x79: {  	_ =	swait.ge @!p0 [sflag:s2], $0x200  }
0x7a: {  	s5 =	rddreg [dreg:$0x10]  }
0x7b: {  	p2 =	seq.s32 @!p5 s5, $0x0  }
0x7c: {  	[sflag:s2] =	ssyncset.done @!p0 $0x0;
	p2 =	por p2, p5  }
0x7d: {  	[sflag:s2] =	ssyncadd.s32 @!p0 $0xFFFFFE00;
	s2 =	simm.s32 @!p2 $0x5  }
0x7e: {  	_ =	swait.ge @!p2 [sflag:s2], $0x200  }
0x7f: {  	s5 =	rddreg [dreg:$0x11]  }
0x80: {  	p0 =	seq.s32 @!p5 s5, $0x0  }
0x81: {  	[sflag:s2] =	ssyncset.done @!p2 $0x0;
	p0 =	por p0, p5  }
0x82: {  	[sflag:s2] =	ssyncadd.s32 @!p2 $0xFFFFFE00;
	s2 =	simm.s32 @!p0 $0x5  }
0x83: {  	_ =	swait.ge @!p0 [sflag:s2], $0x100  }
0x84: {  	s5 =	rddreg [dreg:$0x12]  }
0x85: {  	p2 =	seq.s32 @!p5 s5, $0x0  }
0x86: {  	[sflag:s2] =	ssyncset.done @!p0 $0x0;
	p2 =	por p2, p5  }
0x87: {  	[sflag:s2] =	ssyncadd.s32 @!p0 $0xFFFFFF00;
	s2 =	simm.s32 @!p2 $0x5  }
0x88: {  	_ =	swait.ge @!p2 [sflag:s2], $0x100  }
0x89: {  	s5 =	rddreg [dreg:$0x13]  }
0x8a: {  	p0 =	seq.s32 @!p5 s5, $0x0  }
0x8b: {  	[sflag:s2] =	ssyncset.done @!p2 $0x0;
	p0 =	por p0, p5  }
0x8c: {  	[sflag:s2] =	ssyncadd.s32 @!p2 $0xFFFFFF00;
	s2 =	simm.s32 @!p0 $0x5  }
0x8d: {  	_ =	swait.ge @!p0 [sflag:s2], $0x80  }
0x8e: {  	s5 =	rddreg [dreg:$0x14]  }
0x8f: {  	p2 =	seq.s32 @!p5 s5, $0x0  }
0x90: {  	[sflag:s2] =	ssyncset.done @!p0 $0x0;
	p2 =	por p2, p5  }
0x91: {  	[sflag:s2] =	ssyncadd.s32 @!p0 $0xFFFFFF80;
	s2 =	simm.s32 @!p2 $0x5  }
0x92: {  	_ =	swait.ge @!p2 [sflag:s2], $0x80  }
0x93: {  	s18 =	sld [smem:$0x7F8]  }
0x94: {  	s20 =	sld [smem:$0x7F7]  }
0x95: {  	s25 =	sld [smem:$0x7F1]  }
0x96: {  	s22 =	sld [smem:$0x7F6]  }
0x97: {  	s23 =	sld [smem:$0x7F5]  }
0x98: {  	[sflag:s2] =	ssyncset.done @!p2 $0x0;
	s24 =	sld [smem:$0x7F4];
	p4 =	seq.s32 s25, $0x1  }
0x99: {  	s7 =	rddreg [dreg:$0x8];
	[sflag:s2] =	ssyncadd.s32 @!p2 $0xFFFFFF80;
	s2 =	sshll.u32 @!p4 s0, $0xD  }
0x9a: {  	s5 =	sshll.u32 @!p4 s4, $0x6;
	[smem:$0x7DB] =	sst s2  }
0x9b: {  	s7 =	sshrl.u32 @!p4 s7, $0x3;
	[smem:$0x7DC] =	sst s5  }
0x9c: {  	s2 =	sadd.s32 @!p4 s1, s2;
	s5 =	sor.u32 @!p4 $0x1C01, s5;
	[smem:$0x7DD] =	sst s7  }
0x9d: {  	[spmem:s7], [sflag:s5] =	dma.local @!p4 [hbm:s2], $0x800  }
0x9e: {  	s5 =	sld [smem:$0x7F2];
	_ =	sdelay $0x2  }
0x9f: {  	s2 =	rddreg [dreg:$0x16];
	p4 =	seq.s32 s5, $0x1  }
0xa0: {  	s7 =	rddreg [dreg:$0x17];
	s5 =	sshll.u32 @!p4 s4, $0x6  }
0xa1: {  	s2 =	sadd.s32 @!p4 s2, s6;
	s7 =	sshrl.u32 @!p4 s7, $0x3;
	[smem:$0x7DF] =	sst s5  }
0xa2: {  	s2 =	sshrl.u32 @!p4 s2, $0x3;
	[smem:$0x7E0] =	sst s7  }
0xa3: {  	s5 =	sor.u32 @!p4 $0x1C01, s5;
	[smem:$0x7DE] =	sst s2;
	s2 =	sadd.s32 @!p4 s1, s2  }
0xa4: {  	[spmem:s7], [sflag:s5] =	dma.local @!p4 [hbm:s2], $0x800  }
0xa5: {  	s5 =	sld [smem:$0x7F3]  }
0xa6: {  	s2 =	sld [smem:$0x7FA];
	_ =	sdelay $0x1  }
0xa7: {  	p4 =	seq.s32 s5, $0x1  }
0xa8: {  	s2 =	sor.u32 @!p4 s2, s6  }
0xa9: {  	s2 =	sshrl.u32 @!p4 s2, $0x3  }
0xaa: {  	[smem:$0x7E1] =	sst s2  }
0xab: {  	s5 =	sadd.s32 @!p4 s1, s2;
	s2 =	sld [smem:$0x7FB];
	_ =	sdelay $0x1  }
0xac: {  	s7 =	sshll.u32 @!p4 s4, $0x6  }
0xad: {  	[smem:$0x7E2] =	sst s7;
	s2 =	sshrl.u32 @!p4 s2, $0x3  }
0xae: {  	s7 =	sor.u32 @!p4 $0x1C01, s7;
	[smem:$0x7E3] =	sst s2  }
0xaf: {  	[spmem:s2], [sflag:s7] =	dma.local @!p4 [hbm:s5], $0x400  }
0xb0: {  	s2 =	rddreg [dreg:$0x18]  }
0xb1: {  	s5 =	sadd.s32 @!p1 s2, s6  }
0xb2: {  	s2 =	sshrl.u32 @!p1 s5, $0x3  }
0xb3: {  	[smem:$0x7E4] =	sst s2  }
0xb4: {  	s7 =	sshll.u32 @!p1 s4, $0x6;
	s5 =	sadd.s32 @!p1 s1, s2;
	s2 =	rddreg [dreg:$0x19]  }
0xb5: {  	[smem:$0x7E5] =	sst s7;
	s2 =	sshrl.u32 @!p1 s2, $0x3  }
0xb6: {  	s7 =	sor.u32 @!p1 $0x1C01, s7;
	[smem:$0x7E6] =	sst s2  }
0xb7: {  	[spmem:s2], [sflag:s7] =	dma.local @!p1 [hbm:s5], $0x400  }
0xb8: {  	s2 =	sld [smem:$0x7FD];
	_ =	sdelay $0x2  }
0xb9: {  	p1 =	seq.s32 s2, $0x1;
	s2 =	sld [smem:$0x7EB]  }
0xba: {  	s5 =	sshll.u32 @!p1 s0, $0xD  }
0xbb: {  	[smem:$0x7E7] =	sst s5  }
0xbc: {  	s29 =	sshll.u32 @!p1 s4, $0x6;
	s5 =	sadd.s32 @!p1 s5, s2;
	s2 =	rddreg [dreg:$0x1a]  }
0xbd: {  	s7 =	sor.u32 @!p1 $0x1C01, s29;
	s30 =	sshrl.u32 @!p1 s2, $0x3  }
0xbe: {  	[spmem:s30], [sflag:s7] =	dma.local @!p1 [hbm:s5], $0x200  }
0xbf: {  	p3 =	seq.s32 s24, $0x1;
	s2 =	rddreg [dreg:$0x1b]  }
0xc0: {  	p6 =	seq.s32 s18, $0x1;
	s5 =	sadd.s32 @!p3 s2, s6  }
0xc1: {  	s7 =	sshll.u32 @!p3 s4, $0x6;
	s2 =	rddreg [dreg:$0x1c];
	s13 =	sshrl.u32 @!p3 s5, $0x3  }
0xc2: {  	s8 =	sor.u32 @!p3 $0x1C01, s7;
	s18 =	sshrl.u32 @!p3 s2, $0x3;
	s5 =	sadd.s32 @!p3 s1, s13  }
0xc3: {  	[spmem:s18], [sflag:s8] =	dma.local @!p3 [hbm:s5], $0x200  }
0xc4: {  	s2 =	sld [smem:$0x7ED]  }
0xc5: {  	p5 =	seq.s32 s23, $0x1  }
0xc6: {  	p0 =	seq.s32 s20, $0x1;
	s20 =	sshll.u32 @!p5 s0, $0xD  }
0xc7: {  	s11 =	sshll.u32 @!p5 s4, $0x6;
	s5 =	sadd.s32 @!p5 s20, s2;
	s2 =	rddreg [dreg:$0x1d]  }
0xc8: {  	s9 =	sor.u32 @!p5 $0x1C01, s11;
	s8 =	sshrl.u32 @!p5 s2, $0x3  }
0xc9: {  	[spmem:s8], [sflag:s9] =	dma.local @!p5 [hbm:s5], $0x100  }
0xca: {  	p2 =	seq.s32 s22, $0x1;
	s2 =	rddreg [dreg:$0x1e]  }
0xcb: {  	s5 =	sadd.s32 @!p2 s2, s6  }
0xcc: {  	s2 =	rddreg [dreg:$0x1f];
	s15 =	sshrl.u32 @!p2 s5, $0x3;
	s5 =	sshll.u32 @!p2 s4, $0x6  }
0xcd: {  	s14 =	sshrl.u32 @!p2 s2, $0x3;
	s9 =	sadd.s32 @!p2 s1, s15;
	s10 =	sor.u32 @!p2 $0x1C01, s5  }
0xce: {  	[spmem:s14], [sflag:s10] =	dma.local @!p2 [hbm:s9], $0x100  }
0xcf: {  	s2 =	sld [smem:$0x7EF];
	_ =	sdelay $0x1  }
0xd0: {  	s31 =	sshll.u32 @!p0 s0, $0xD  }
0xd1: {  	s9 =	sadd.s32 @!p0 s31, s2;
	s2 =	sld [smem:$0x7E8];
	_ =	sdelay $0x1  }
0xd2: {  	s0 =	sshll.u32 @!p0 s4, $0x6  }
0xd3: {  	s10 =	sor.u32 @!p0 $0x1C01, s0;
	s22 =	sshrl.u32 @!p0 s2, $0x3  }
0xd4: {  	[spmem:s22], [sflag:s10] =	dma.local @!p0 [hbm:s9], $0x80  }
0xd5: {  	s2 =	sld [smem:$0x7E9];
	_ =	sdelay $0x2  }
0xd6: {  	s6 =	sadd.s32 @!p6 s2, s6;
	s2 =	sld [smem:$0x7EA];
	_ =	sdelay $0x1  }
0xd7: {  	s9 =	sshll.u32 @!p6 s4, $0x6;
	s6 =	sshrl.u32 @!p6 s6, $0x3  }
0xd8: {  	s16 =	sor.u32 @!p6 $0x1C01, s9;
	s10 =	sadd.s32 @!p6 s1, s6;
	s23 =	sshrl.u32 @!p6 s2, $0x3  }
0xd9: {  	[spmem:s23], [sflag:s16] =	dma.local @!p6 [hbm:s10], $0x80  }
0xda: {  	s10 =	sadd.s32 $0xFFFFFF80, s19  }
0xdb: {  	s26 =	sadd.s32 $0x80, s10;
	s17 =	sadd.s32 $0xF0, s10  }
0xdc: {  	s28 =	sadd.s32 $0x90, s10;
	s2 =	sadd.s32 $0xA0, s10;
	s24 =	sadd.s32 $0xB0, s10;
	v15 =	vadd.s32 s26, v0;
	v6 =	vadd.s32 s17, v0  }
0xdd: {  	s25 =	sadd.s32 $0xC0, s10;
	v22 =	vadd.s32 s28, v0;
	v2 =	vadd.s32 s2, v0;
	v3 =	vadd.s32 s24, v0;
	s26 =	sadd.s32 $0xD0, s10  }
0xde: {  	v5 =	vadd.s32 s25, v0;
	s28 =	sadd.s32 $0xE0, s10;
	v1 =	vadd.s32 s26, v0;
	v7 =	vshll.u32 v6, $0x3  }
0xdf: {  	s10 =	simm.s32 $0x84C0;
	v4 =	vadd.s32 s28, v0;
	v8 =	vand.u32 $0x7F, v6;
	v6 =	vshll.u32 v15, $0x3  }
0xe0: {  	v27 =	vld [tilespmem:s10+$0x30];
	v10 =	vshll.u32 v2, $0x3;
	v12 =	vshll.u32 v3, $0x3;
	v11 =	vshll.u32 v5, $0x3  }
0xe1: {  	v16 =	vld [tilespmem:s10+$0xFFFFFFD0];
	v17 =	vand.u32 $0x7F, v15;
	v15 =	vand.u32 $0x7F, v22;
	v9 =	vand.u32 $0x7FFFFC00, v7  }
0xe2: {  	v18 =	vld [tilespmem:s10+$0xFFFFFFE0];
	v31 =	vand.u32 $0x7F, v2;
	v33 =	vand.u32 $0x7F, v3;
	v28 =	vor.u32 v8, v9  }
0xe3: {  	v19 =	vld [tilespmem:s10+$0xFFFFFFF0];
	v34 =	vand.u32 $0x7F, v5;
	v7 =	vshll.u32 v22, $0x3;
	v6 =	vand.u32 $0xFC00, v6  }
0xe4: {  	v20 =	vld [tilespmem:s10+$0x0];
	v13 =	vshll.u32 v1, $0x3;
	v14 =	vshll.u32 v4, $0x3;
	v23 =	vand.u32 $0x7FFFFC00, v10  }
0xe5: {  	v21 =	vld [tilespmem:s10+$0x10];
	v24 =	vand.u32 $0x7FFFFC00, v12;
	v29 =	vand.u32 $0x7FFFFC00, v11;
	v32 =	vand.u32 $0x7F, v1  }
0xe6: {  	v22 =	vld [tilespmem:s10+$0x20];
	v35 =	vand.u32 $0x7F, v4;
	v7 =	vand.u32 $0x7FFFFC00, v7;
	v26 =	vand.u32 $0x7FFFFC00, v13  }
0xe7: {  	p3 =	por p1, p1;
	s16 =	simm.s32 $0x8570;
	s17 =	simm.s32 $0x0;
	v25 =	vand.u32 $0x7FFFFC00, v14;
	v30 =	vor.u32 v17, v6;
	[tilespmem:v28+s12+$0x0] =	vst.idx.msk $0xffff, v27;
	v28 =	vld [tilespmem:s10+$0xFFFFFFC0];
	v27 =	vor.u32 v15, v7  }
.LBB2_3:
0xe8: {  	s2 =	sadd.s32 s17, s19;
	s17 =	sadd.s32 $0x80, s17;
	v23 =	vor.u32 v31, v23;
	v24 =	vor.u32 v33, v24;
	v29 =	vor.u32 v34, v29  }
0xe9: {  	v26 =	vor.u32 v32, v26;
	v32 =	vor.u32 v35, v25;
	s24 =	sadd.s32 $0x80, s2;
	s25 =	sadd.s32 $0xF0, s2;
	p5 =	slt.u32 s17, $0xF80  }
0xea: {  	s26 =	sadd.s32 $0xA0, s2;
	s28 =	sadd.s32 $0xB0, s2;
	v31 =	vadd.s32 s24, v0;
	s24 =	sadd.s32 $0x90, s2;
	v25 =	vadd.s32 s25, v0  }
0xeb: {  	v34 =	vadd.s32 s26, v0;
	s25 =	sadd.s32 $0xD0, s2;
	v33 =	vadd.s32 s24, v0;
	s24 =	sadd.s32 $0xC0, s2;
	s2 =	sadd.s32 $0xE0, s2;
	v35 =	vshll.u32 v25, $0x3  }
0xec: {  	s10 =	sadd.s32 $0x400, s10;
	v36 =	vadd.s32 s28, v0;
	v25 =	vand.u32 $0x7F, v25;
	v35 =	vand.u32 $0x7FFFFC00, v35;
	[tilespmem:v30+s12+$0x0] =	vst.idx.msk $0xffff, v28  }
0xed: {  	v37 =	vadd.s32 s25, v0;
	v30 =	vadd.s32 s24, v0;
	v28 =	vld [tilespmem:s10+$0x30];
	v35 =	vor.u32 v25, v35;
	[tilespmem:v27+s12+$0x0] =	vst.idx.msk $0xffff, v16  }
0xee: {  	v38 =	vadd.s32 s2, v0;
	v25 =	vshll.u32 v31, $0x3;
	v27 =	vshll.u32 v33, $0x3;
	v16 =	vld [tilespmem:s10+$0xFFFFFFD0];
	[tilespmem:v23+s12+$0x0] =	vst.idx.msk $0xffff, v18  }
0xef: {  	v39 =	vshll.u32 v36, $0x3;
	v40 =	vshll.u32 v30, $0x3;
	v23 =	vshll.u32 v34, $0x3;
	v18 =	vld [tilespmem:s10+$0xFFFFFFE0];
	[tilespmem:v24+s12+$0x0] =	vst.idx.msk $0xffff, v19  }
0xf0: {  	v42 =	vshll.u32 v38, $0x3;
	v41 =	vand.u32 $0xFC00, v25;
	v25 =	vshll.u32 v37, $0x3;
	v19 =	vld [tilespmem:s10+$0xFFFFFFF0];
	[tilespmem:v29+s12+$0x0] =	vst.idx.msk $0xffff, v20  }
.Ltmp0:
0xf1: {  	v27 =	vand.u32 $0x7FFFFC00, v27;
	v23 =	vand.u32 $0x7FFFFC00, v23;
	v24 =	vand.u32 $0x7FFFFC00, v39;
	v20 =	vld [tilespmem:s10+$0x0];
	[tilespmem:v26+s12+$0x0] =	vst.idx.msk $0xffff, v21;
	(pc) =	sbr.rel @p5 .LBB2_3-.Ltmp0, $4  }
0xf2: {  	v29 =	vand.u32 $0x7FFFFC00, v40;
	v26 =	vand.u32 $0x7FFFFC00, v25;
	v25 =	vand.u32 $0x7FFFFC00, v42;
	v21 =	vld [tilespmem:s10+$0x10];
	[tilespmem:v35+s12+$0x0] =	vst.idx.msk $0xffff, v28  }
0xf3: {  	v39 =	vand.u32 $0x7F, v33;
	v35 =	vand.u32 $0x7F, v31;
	v31 =	vand.u32 $0x7F, v34;
	[tilespmem:v32+s12+$0x0] =	vst.idx.msk $0xffff, v22;
	v22 =	vld [tilespmem:s10+$0x20]  }
0xf4: {  	v33 =	vand.u32 $0x7F, v36;
	v34 =	vand.u32 $0x7F, v30;
	v32 =	vand.u32 $0x7F, v37;
	v28 =	vld [tilespmem:s10+$0xFFFFFFC0]  }
0xf5: {  	v27 =	vor.u32 v39, v27;
	v30 =	vor.u32 v35, v41;
	v35 =	vand.u32 $0x7F, v38  }
0xf6: {  	_ = 	snop  }
0xf7: {  	v23 =	vor.u32 v31, v23  }
0xf8: {  	v24 =	vor.u32 v33, v24  }
0xf9: {  	v29 =	vor.u32 v34, v29  }
0xfa: {  	v26 =	vor.u32 v32, v26;
	[tilespmem:v27+s12+$0x0] =	vst.idx.msk $0xffff, v16  }
0xfb: {  	v25 =	vor.u32 v35, v25;
	[tilespmem:v30+s12+$0x0] =	vst.idx.msk $0xffff, v28  }
0xfc: {  	[tilespmem:v23+s12+$0x0] =	vst.idx.msk $0xffff, v18  }
0xfd: {  	[tilespmem:v24+s12+$0x0] =	vst.idx.msk $0xffff, v19  }
0xfe: {  	[tilespmem:v29+s12+$0x0] =	vst.idx.msk $0xffff, v20  }
0xff: {  	[tilespmem:v26+s12+$0x0] =	vst.idx.msk $0xffff, v21  }
0x100: {  	[tilespmem:v25+s12+$0x0] =	vst.idx.msk $0xffff, v22  }
0x101: {  	v18 =	vld [tilespmem:s16+$0x0]  }
0x102: {  	v8 =	vor.u32 v9, v8;
	v59 =	vand.u32 $0x7FFFFC00, v10;
	v16 =	vld [tilespmem:s16+$0xFFFFFFA0]  }
0x103: {  	v60 =	vand.u32 $0x7FFFFC00, v12;
	v61 =	vand.u32 $0x7FFFFC00, v11;
	v19 =	vor.u32 $0x80, v8;
	v9 =	vld [tilespmem:s16+$0xFFFFFFB0]  }
0x104: {  	v62 =	vand.u32 $0x7FFFFC00, v13;
	v14 =	vand.u32 $0x7FFFFC00, v14;
	v12 =	vand.u32 $0x7F, v2;
	v10 =	vld [tilespmem:s16+$0xFFFFFFC0]  }
0x105: {  	v13 =	vand.u32 $0x7F, v3;
	v63 =	vand.u32 $0x7F, v5;
	v5 =	vor.u32 v6, v17;
	v8 =	vld [tilespmem:s16+$0xFFFFFFD0]  }
0x106: {  	v17 =	vand.u32 $0x7F, v1;
	v4 =	vand.u32 $0x7F, v4;
	v11 =	vor.u32 v7, v15;
	v3 =	vld [tilespmem:s16+$0xFFFFFFE0]  }
0x107: {  	v12 =	vor.u32 v59, v12;
	v6 =	vor.u32 v60, v13;
	v13 =	vor.u32 v61, v63;
	v2 =	vld [tilespmem:s16+$0xFFFFFFF0]  }
0x108: {  	s17 =	simm.s32 $0x0;
	s10 =	simm.s32 $0x85F0;
	v7 =	vor.u32 v62, v17;
	v4 =	vor.u32 v14, v4;
	v1 =	vld [tilespmem:s16+$0xFFFFFF90];
	[tilespmem:v19+s12+$0x0] =	vst.idx.msk $0xffff, v18  }
.LBB2_5:
0x109: {  	s2 =	sadd.s32 s17, s19;
	s17 =	sadd.s32 $0x80, s17;
	v5 =	vor.u32 $0x80, v5;
	v11 =	vor.u32 $0x80, v11;
	v12 =	vor.u32 $0x80, v12  }
0x10a: {  	v6 =	vor.u32 $0x80, v6;
	v13 =	vor.u32 $0x80, v13;
	v7 =	vor.u32 $0x80, v7;
	s24 =	sadd.s32 $0x80, s2;
	s25 =	sadd.s32 $0xF0, s2;
	p5 =	slt.u32 s17, $0xF80  }
0x10b: {  	v4 =	vor.u32 $0x80, v4;
	s26 =	sadd.s32 $0xA0, s2;
	s28 =	sadd.s32 $0xB0, s2;
	v14 =	vadd.s32 s24, v0;
	s24 =	sadd.s32 $0x90, s2;
	v15 =	vadd.s32 s25, v0  }
0x10c: {  	v18 =	vadd.s32 s26, v0;
	s25 =	sadd.s32 $0xD0, s2;
	v17 =	vadd.s32 s24, v0;
	s24 =	sadd.s32 $0xC0, s2;
	s2 =	sadd.s32 $0xE0, s2;
	v19 =	vshll.u32 v15, $0x3  }
0x10d: {  	v20 =	vadd.s32 s28, v0;
	v15 =	vand.u32 $0x7F, v15;
	v19 =	vand.u32 $0x7FFFFC00, v19  }
0x10e: {  	s16 =	sadd.s32 $0x400, s16;
	v22 =	vadd.s32 s25, v0;
	v21 =	vadd.s32 s24, v0;
	v15 =	vor.u32 v19, v15;
	[tilespmem:v5+s12+$0x0] =	vst.idx.msk $0xffff, v1  }
0x10f: {  	v1 =	vshll.u32 v14, $0x3;
	v19 =	vadd.s32 s2, v0;
	v5 =	vld [tilespmem:s16+$0x0];
	v15 =	vor.u32 $0x80, v15;
	[tilespmem:v11+s12+$0x0] =	vst.idx.msk $0xffff, v16  }
0x110: {  	v23 =	vshll.u32 v18, $0x3;
	v24 =	vshll.u32 v20, $0x3;
	v11 =	vshll.u32 v17, $0x3;
	v16 =	vld [tilespmem:s16+$0xFFFFFFA0];
	[tilespmem:v12+s12+$0x0] =	vst.idx.msk $0xffff, v9  }
0x111: {  	v25 =	vshll.u32 v22, $0x3;
	v26 =	vshll.u32 v19, $0x3;
	v12 =	vshll.u32 v21, $0x3;
	v9 =	vld [tilespmem:s16+$0xFFFFFFB0];
	[tilespmem:v6+s12+$0x0] =	vst.idx.msk $0xffff, v10  }
0x112: {  	v23 =	vand.u32 $0x7FFFFC00, v23;
	v11 =	vand.u32 $0x7FFFFC00, v11;
	v6 =	vand.u32 $0xFC00, v1;
	v10 =	vld [tilespmem:s16+$0xFFFFFFC0];
	[tilespmem:v13+s12+$0x0] =	vst.idx.msk $0xffff, v8  }
0x113: {  	v25 =	vand.u32 $0x7FFFFC00, v25;
	v13 =	vand.u32 $0x7FFFFC00, v24;
	v24 =	vand.u32 $0x7FFFFC00, v12;
	v8 =	vld [tilespmem:s16+$0xFFFFFFD0];
	[tilespmem:v7+s12+$0x0] =	vst.idx.msk $0xffff, v3  }
.Ltmp1:
0x114: {  	v12 =	vand.u32 $0x7F, v17;
	v7 =	vand.u32 $0x7F, v14;
	v14 =	vand.u32 $0x7FFFFC00, v26;
	v3 =	vld [tilespmem:s16+$0xFFFFFFE0];
	[tilespmem:v15+s12+$0x0] =	vst.idx.msk $0xffff, v5;
	(pc) =	sbr.rel @p5 .LBB2_5-.Ltmp1, $4  }
0x115: {  	v17 =	vand.u32 $0x7F, v20;
	v15 =	vand.u32 $0x7F, v18;
	v18 =	vand.u32 $0x7F, v21;
	[tilespmem:v4+s12+$0x0] =	vst.idx.msk $0xffff, v2;
	v2 =	vld [tilespmem:s16+$0xFFFFFFF0]  }
0x116: {  	v19 =	vand.u32 $0x7F, v19;
	v5 =	vor.u32 v6, v7;
	v4 =	vand.u32 $0x7F, v22;
	v1 =	vld [tilespmem:s16+$0xFFFFFF90]  }
0x117: {  	v11 =	vor.u32 v11, v12;
	v6 =	vor.u32 v13, v17;
	v12 =	vor.u32 v23, v15  }
0x118: {  	v13 =	vor.u32 v24, v18;
	v7 =	vor.u32 v25, v4;
	v4 =	vor.u32 v14, v19  }
0x119: {  	v5 =	vor.u32 $0x80, v5  }
0x11a: {  	v11 =	vor.u32 $0x80, v11  }
0x11b: {  	v12 =	vor.u32 $0x80, v12  }
0x11c: {  	v6 =	vor.u32 $0x80, v6  }
0x11d: {  	v13 =	vor.u32 $0x80, v13  }
0x11e: {  	v7 =	vor.u32 $0x80, v7;
	[tilespmem:v5+s12+$0x0] =	vst.idx.msk $0xffff, v1  }
0x11f: {  	s2 =	sadd.s32 $0xFFFFFF80, s19;
	v4 =	vor.u32 $0x80, v4;
	[tilespmem:v11+s12+$0x0] =	vst.idx.msk $0xffff, v16  }
0x120: {  	s17 =	sadd.s32 $0xF0, s2;
	[tilespmem:v12+s12+$0x0] =	vst.idx.msk $0xffff, v9  }
0x121: {  	v1 =	vadd.s32 s17, v0;
	[tilespmem:v6+s12+$0x0] =	vst.idx.msk $0xffff, v10  }
0x122: {  	[tilespmem:v13+s12+$0x0] =	vst.idx.msk $0xffff, v8;
	v5 =	vshll.u32 v1, $0x3  }
0x123: {  	[tilespmem:v7+s12+$0x0] =	vst.idx.msk $0xffff, v3;
	v1 =	vand.u32 $0x7F, v1;
	v5 =	vand.u32 $0x7FFFFC00, v5  }
0x124: {  	s25 =	sadd.s32 $0xB0, s2;
	s26 =	sadd.s32 $0xC0, s2;
	[tilespmem:v4+s12+$0x0] =	vst.idx.msk $0xffff, v2;
	v1 =	vor.u32 v5, v1  }
0x125: {  	s16 =	sadd.s32 $0x80, s2;
	s28 =	sadd.s32 $0x90, s2;
	s24 =	sadd.s32 $0xA0, s2;
	v14 =	vadd.s32 s25, v0;
	v15 =	vadd.s32 s26, v0;
	v24 =	vld [tilespmem:s10+$0x0];
	v23 =	vor.u32 $0x100, v1  }
0x126: {  	v11 =	vadd.s32 s16, v0;
	v9 =	vadd.s32 s28, v0;
	v12 =	vadd.s32 s24, v0;
	s28 =	sadd.s32 $0xD0, s2  }
0x127: {  	s2 =	sadd.s32 $0xE0, s2;
	v7 =	vshll.u32 v14, $0x3;
	v8 =	vshll.u32 v15, $0x3;
	v21 =	vadd.s32 s28, v0  }
0x128: {  	v3 =	vshll.u32 v11, $0x3;
	v22 =	vadd.s32 s2, v0;
	v2 =	vshll.u32 v9, $0x3  }
0x129: {  	v7 =	vand.u32 $0x7FFFFC00, v7;
	v11 =	vand.u32 $0x7F, v11;
	v10 =	vshll.u32 v21, $0x3  }
0x12a: {  	v16 =	vld [tilespmem:s10+$0xFFFFFFA0];
	v13 =	vshll.u32 v22, $0x3;
	v6 =	vand.u32 $0xFC00, v3;
	v4 =	vand.u32 $0x7FFFFC00, v2;
	[tilespmem:v23+s12+$0x0] =	vst.idx.msk $0xffff, v24  }
0x12b: {  	v17 =	vld [tilespmem:s10+$0xFFFFFFB0];
	v2 =	vand.u32 $0x7FFFFC00, v8;
	v5 =	vshll.u32 v12, $0x3;
	v3 =	vand.u32 $0x7FFFFC00, v10;
	s25 =	sld [smem:$0x7F3]  }
0x12c: {  	v18 =	vld [tilespmem:s10+$0xFFFFFFC0];
	v10 =	vand.u32 $0x7F, v9;
	v8 =	vand.u32 $0x7FFFFC00, v13;
	v12 =	vand.u32 $0x7F, v12;
	s26 =	sld [smem:$0x7F2]  }
0x12d: {  	v19 =	vld [tilespmem:s10+$0xFFFFFFD0];
	v13 =	vand.u32 $0x7F, v14;
	v9 =	vand.u32 $0x7F, v15;
	v14 =	vand.u32 $0x7F, v21;
	s28 =	sld [smem:$0x7F1]  }
0x12e: {  	v20 =	vld [tilespmem:s10+$0xFFFFFFE0];
	v15 =	vand.u32 $0x7F, v22;
	v5 =	vand.u32 $0x7FFFFC00, v5;
	v26 =	vor.u32 v4, v10  }
0x12f: {  	s17 =	simm.s32 $0x0;
	s16 =	simm.s32 $0x8670;
	v21 =	vld [tilespmem:s10+$0xFFFFFFF0];
	v25 =	vor.u32 v7, v13;
	v28 =	vor.u32 v2, v9;
	v29 =	vor.u32 v3, v14  }
0x130: {  	v22 =	vld [tilespmem:s10+$0xFFFFFF90];
	v27 =	vor.u32 v5, v12;
	v24 =	vor.u32 v6, v11;
	v23 =	vor.u32 v8, v15;
	p1 =	seq.s32 s25, $0x1;
	p0 =	seq.s32 s26, $0x1;
	p2 =	seq.s32 s28, $0x1  }
.LBB2_7:
0x131: {  	s2 =	sadd.s32 s17, s19;
	s17 =	sadd.s32 $0x80, s17;
	v24 =	vor.u32 $0x100, v24;
	v26 =	vor.u32 $0x100, v26;
	v27 =	vor.u32 $0x100, v27  }
0x132: {  	v25 =	vor.u32 $0x100, v25;
	v28 =	vor.u32 $0x100, v28;
	v29 =	vor.u32 $0x100, v29;
	s24 =	sadd.s32 $0x80, s2;
	s25 =	sadd.s32 $0xF0, s2;
	p5 =	slt.u32 s17, $0xF80  }
0x133: {  	v23 =	vor.u32 $0x100, v23;
	s26 =	sadd.s32 $0xA0, s2;
	s28 =	sadd.s32 $0xB0, s2;
	v30 =	vadd.s32 s24, v0;
	s24 =	sadd.s32 $0x90, s2;
	v31 =	vadd.s32 s25, v0  }
0x134: {  	v33 =	vadd.s32 s26, v0;
	s25 =	sadd.s32 $0xD0, s2;
	v32 =	vadd.s32 s24, v0;
	s24 =	sadd.s32 $0xC0, s2;
	s2 =	sadd.s32 $0xE0, s2;
	v34 =	vshll.u32 v31, $0x3  }
0x135: {  	v35 =	vadd.s32 s28, v0;
	v31 =	vand.u32 $0x7F, v31;
	v34 =	vand.u32 $0x7FFFFC00, v34  }
0x136: {  	s10 =	sadd.s32 $0x400, s10;
	v37 =	vadd.s32 s25, v0;
	v36 =	vadd.s32 s24, v0;
	v31 =	vor.u32 v34, v31;
	[tilespmem:v24+s12+$0x0] =	vst.idx.msk $0xffff, v22  }
0x137: {  	v22 =	vshll.u32 v30, $0x3;
	v34 =	vadd.s32 s2, v0;
	v24 =	vld [tilespmem:s10+$0x0];
	v31 =	vor.u32 $0x100, v31;
	[tilespmem:v26+s12+$0x0] =	vst.idx.msk $0xffff, v16  }
0x138: {  	v38 =	vshll.u32 v33, $0x3;
	v39 =	vshll.u32 v35, $0x3;
	v26 =	vshll.u32 v32, $0x3;
	v16 =	vld [tilespmem:s10+$0xFFFFFFA0];
	[tilespmem:v27+s12+$0x0] =	vst.idx.msk $0xffff, v17  }
0x139: {  	v40 =	vshll.u32 v37, $0x3;
	v41 =	vshll.u32 v34, $0x3;
	v27 =	vshll.u32 v36, $0x3;
	v17 =	vld [tilespmem:s10+$0xFFFFFFB0];
	[tilespmem:v25+s12+$0x0] =	vst.idx.msk $0xffff, v18  }
0x13a: {  	v38 =	vand.u32 $0x7FFFFC00, v38;
	v26 =	vand.u32 $0x7FFFFC00, v26;
	v25 =	vand.u32 $0xFC00, v22;
	v18 =	vld [tilespmem:s10+$0xFFFFFFC0];
	[tilespmem:v28+s12+$0x0] =	vst.idx.msk $0xffff, v19  }
0x13b: {  	v40 =	vand.u32 $0x7FFFFC00, v40;
	v28 =	vand.u32 $0x7FFFFC00, v39;
	v39 =	vand.u32 $0x7FFFFC00, v27;
	v19 =	vld [tilespmem:s10+$0xFFFFFFD0];
	[tilespmem:v29+s12+$0x0] =	vst.idx.msk $0xffff, v20  }
.Ltmp2:
0x13c: {  	v27 =	vand.u32 $0x7F, v30;
	v30 =	vand.u32 $0x7FFFFC00, v41;
	v29 =	vand.u32 $0x7F, v32;
	v20 =	vld [tilespmem:s10+$0xFFFFFFE0];
	[tilespmem:v31+s12+$0x0] =	vst.idx.msk $0xffff, v24;
	(pc) =	sbr.rel @p5 .LBB2_7-.Ltmp2, $4  }
0x13d: {  	v32 =	vand.u32 $0x7F, v35;
	v31 =	vand.u32 $0x7F, v33;
	v33 =	vand.u32 $0x7F, v36;
	[tilespmem:v23+s12+$0x0] =	vst.idx.msk $0xffff, v21;
	v21 =	vld [tilespmem:s10+$0xFFFFFFF0]  }
0x13e: {  	v34 =	vand.u32 $0x7F, v34;
	v24 =	vor.u32 v25, v27;
	v23 =	vand.u32 $0x7F, v37;
	v22 =	vld [tilespmem:s10+$0xFFFFFF90]  }
0x13f: {  	v26 =	vor.u32 v26, v29;
	v25 =	vor.u32 v28, v32;
	v27 =	vor.u32 v38, v31  }
0x140: {  	v28 =	vor.u32 v39, v33;
	v29 =	vor.u32 v40, v23;
	v23 =	vor.u32 v30, v34  }
0x141: {  	v24 =	vor.u32 $0x100, v24  }
0x142: {  	v26 =	vor.u32 $0x100, v26  }
0x143: {  	v27 =	vor.u32 $0x100, v27  }
0x144: {  	v25 =	vor.u32 $0x100, v25  }
0x145: {  	v28 =	vor.u32 $0x100, v28  }
0x146: {  	v29 =	vor.u32 $0x100, v29;
	[tilespmem:v24+s12+$0x0] =	vst.idx.msk $0xffff, v22  }
0x147: {  	v62 =	vor.u32 $0x100, v23;
	[tilespmem:v26+s12+$0x0] =	vst.idx.msk $0xffff, v16  }
0x148: {  	[tilespmem:v27+s12+$0x0] =	vst.idx.msk $0xffff, v17  }
0x149: {  	[tilespmem:v25+s12+$0x0] =	vst.idx.msk $0xffff, v18  }
0x14a: {  	[tilespmem:v28+s12+$0x0] =	vst.idx.msk $0xffff, v19  }
0x14b: {  	[tilespmem:v29+s12+$0x0] =	vst.idx.msk $0xffff, v20  }
0x14c: {  	[tilespmem:v62+s12+$0x0] =	vst.idx.msk $0xffff, v21  }
0x14d: {  	v20 =	vld [tilespmem:s16+$0x0]  }
0x14e: {  	v19 =	vld [tilespmem:s16+$0xFFFFFFA0]  }
0x14f: {  	v63 =	vor.u32 $0x180, v1;
	v18 =	vld [tilespmem:s16+$0xFFFFFFB0]  }
0x150: {  	v17 =	vld [tilespmem:s16+$0xFFFFFFC0]  }
0x151: {  	v1 =	vld [tilespmem:s16+$0xFFFFFFD0]  }
0x152: {  	v11 =	vor.u32 v6, v11;
	v10 =	vor.u32 v4, v10;
	v16 =	vld [tilespmem:s16+$0xFFFFFFE0]  }
0x153: {  	v12 =	vor.u32 v5, v12;
	v5 =	vor.u32 v7, v13;
	v7 =	vor.u32 v2, v9;
	v6 =	vld [tilespmem:s16+$0xFFFFFFF0]  }
0x154: {  	s17 =	simm.s32 $0x0;
	s10 =	simm.s32 $0x86F0;
	v3 =	vor.u32 v3, v14;
	v2 =	vor.u32 v8, v15;
	v4 =	vld [tilespmem:s16+$0xFFFFFF90];
	[tilespmem:v63+s12+$0x0] =	vst.idx.msk $0xffff, v20  }
.LBB2_9:
0x155: {  	s2 =	sadd.s32 s17, s19;
	s17 =	sadd.s32 $0x80, s17;
	v8 =	vor.u32 $0x180, v11;
	v9 =	vor.u32 $0x180, v10;
	v10 =	vor.u32 $0x180, v12  }
0x156: {  	v5 =	vor.u32 $0x180, v5;
	v7 =	vor.u32 $0x180, v7;
	v3 =	vor.u32 $0x180, v3;
	s24 =	sadd.s32 $0x80, s2;
	s25 =	sadd.s32 $0xF0, s2;
	p5 =	slt.u32 s17, $0xF80  }
0x157: {  	v2 =	vor.u32 $0x180, v2;
	s26 =	sadd.s32 $0xA0, s2;
	s28 =	sadd.s32 $0xB0, s2;
	v11 =	vadd.s32 s24, v0;
	s24 =	sadd.s32 $0x90, s2;
	v12 =	vadd.s32 s25, v0  }
0x158: {  	v14 =	vadd.s32 s26, v0;
	s25 =	sadd.s32 $0xD0, s2;
	v13 =	vadd.s32 s24, v0;
	s24 =	sadd.s32 $0xC0, s2;
	s2 =	sadd.s32 $0xE0, s2;
	v15 =	vshll.u32 v12, $0x3  }
0x159: {  	v20 =	vadd.s32 s28, v0;
	v12 =	vand.u32 $0x7F, v12;
	v15 =	vand.u32 $0x7FFFFC00, v15  }
0x15a: {  	s16 =	sadd.s32 $0x400, s16;
	v22 =	vadd.s32 s25, v0;
	v21 =	vadd.s32 s24, v0;
	v12 =	vor.u32 v15, v12;
	[tilespmem:v8+s12+$0x0] =	vst.idx.msk $0xffff, v4  }
0x15b: {  	v4 =	vshll.u32 v11, $0x3;
	v8 =	vadd.s32 s2, v0;
	v15 =	vld [tilespmem:s16+$0x0];
	v12 =	vor.u32 $0x180, v12;
	[tilespmem:v9+s12+$0x0] =	vst.idx.msk $0xffff, v19  }
0x15c: {  	v23 =	vshll.u32 v14, $0x3;
	v24 =	vshll.u32 v20, $0x3;
	v9 =	vshll.u32 v13, $0x3;
	v19 =	vld [tilespmem:s16+$0xFFFFFFA0];
	[tilespmem:v10+s12+$0x0] =	vst.idx.msk $0xffff, v18  }
0x15d: {  	v25 =	vshll.u32 v22, $0x3;
	v26 =	vshll.u32 v8, $0x3;
	v10 =	vshll.u32 v21, $0x3;
	v18 =	vld [tilespmem:s16+$0xFFFFFFB0];
	[tilespmem:v5+s12+$0x0] =	vst.idx.msk $0xffff, v17  }
0x15e: {  	v23 =	vand.u32 $0x7FFFFC00, v23;
	v9 =	vand.u32 $0x7FFFFC00, v9;
	v5 =	vand.u32 $0xFC00, v4;
	v17 =	vld [tilespmem:s16+$0xFFFFFFC0];
	[tilespmem:v7+s12+$0x0] =	vst.idx.msk $0xffff, v1  }
0x15f: {  	v25 =	vand.u32 $0x7FFFFC00, v25;
	v7 =	vand.u32 $0x7FFFFC00, v24;
	v24 =	vand.u32 $0x7FFFFC00, v10;
	v1 =	vld [tilespmem:s16+$0xFFFFFFD0];
	[tilespmem:v3+s12+$0x0] =	vst.idx.msk $0xffff, v16  }
.Ltmp3:
0x160: {  	v10 =	vand.u32 $0x7F, v13;
	v13 =	vand.u32 $0x7FFFFC00, v26;
	v3 =	vand.u32 $0x7F, v11;
	v16 =	vld [tilespmem:s16+$0xFFFFFFE0];
	[tilespmem:v12+s12+$0x0] =	vst.idx.msk $0xffff, v15;
	(pc) =	sbr.rel @p5 .LBB2_9-.Ltmp3, $4  }
0x161: {  	v12 =	vand.u32 $0x7F, v14;
	v14 =	vand.u32 $0x7F, v20;
	v15 =	vand.u32 $0x7F, v21;
	[tilespmem:v2+s12+$0x0] =	vst.idx.msk $0xffff, v6;
	v6 =	vld [tilespmem:s16+$0xFFFFFFF0]  }
0x162: {  	v8 =	vand.u32 $0x7F, v8;
	v11 =	vor.u32 v5, v3;
	v2 =	vand.u32 $0x7F, v22;
	v4 =	vld [tilespmem:s16+$0xFFFFFF90]  }
0x163: {  	v10 =	vor.u32 v9, v10;
	v12 =	vor.u32 v23, v12;
	v5 =	vor.u32 v7, v14  }
0x164: {  	v7 =	vor.u32 v24, v15;
	v3 =	vor.u32 v25, v2;
	v2 =	vor.u32 v13, v8  }
0x165: {  	v8 =	vor.u32 $0x180, v11  }
0x166: {  	v9 =	vor.u32 $0x180, v10  }
0x167: {  	v10 =	vor.u32 $0x180, v12  }
0x168: {  	v7 =	vor.u32 $0x180, v7  }
0x169: {  	s2 =	sadd.s32 $0xFFFFFF80, s19;
	v3 =	vor.u32 $0x180, v3  }
0x16a: {  	v5 =	vor.u32 $0x180, v5;
	v2 =	vor.u32 $0x180, v2;
	s24 =	sadd.s32 $0xA0, s2;
	s25 =	sadd.s32 $0xB0, s2;
	s26 =	sadd.s32 $0xC0, s2;
	[tilespmem:v8+s12+$0x0] =	vst.idx.msk $0xffff, v4  }
0x16b: {  	s16 =	sadd.s32 $0x80, s2;
	s17 =	sadd.s32 $0xF0, s2;
	s28 =	sadd.s32 $0x90, s2;
	v12 =	vadd.s32 s24, v0;
	v13 =	vadd.s32 s25, v0;
	v14 =	vadd.s32 s26, v0;
	[tilespmem:v9+s12+$0x0] =	vst.idx.msk $0xffff, v19  }
0x16c: {  	v8 =	vadd.s32 s16, v0;
	v4 =	vadd.s32 s17, v0;
	[tilespmem:v10+s12+$0x0] =	vst.idx.msk $0xffff, v18;
	v9 =	vadd.s32 s28, v0  }
0x16d: {  	s28 =	sadd.s32 $0xD0, s2;
	[tilespmem:v7+s12+$0x0] =	vst.idx.msk $0xffff, v1;
	v7 =	vshll.u32 v13, $0x3;
	v13 =	vand.u32 $0x7F, v13;
	v10 =	vshll.u32 v4, $0x3  }
0x16e: {  	s2 =	sadd.s32 $0xE0, s2;
	[tilespmem:v3+s12+$0x0] =	vst.idx.msk $0xffff, v16;
	v4 =	vand.u32 $0x7F, v4;
	v15 =	vadd.s32 s28, v0;
	v3 =	vshll.u32 v8, $0x3  }
0x16f: {  	[tilespmem:v2+s12+$0x0] =	vst.idx.msk $0xffff, v6;
	v21 =	vadd.s32 s2, v0;
	v2 =	vshll.u32 v9, $0x3;
	v7 =	vand.u32 $0x7FFFFC00, v7  }
0x170: {  	[tilespmem:v5+s12+$0x0] =	vst.idx.msk $0xffff, v17;
	v5 =	vand.u32 $0x7FFFFC00, v10;
	v10 =	vshll.u32 v14, $0x3;
	v11 =	vshll.u32 v15, $0x3  }
0x171: {  	v23 =	vld [tilespmem:s10+$0x0];
	v19 =	vshll.u32 v21, $0x3;
	v6 =	vand.u32 $0xFC00, v3;
	v25 =	vor.u32 v7, v13  }
0x172: {  	v16 =	vld [tilespmem:s10+$0xFFFFFFA0];
	v1 =	vor.u32 v5, v4;
	v5 =	vshll.u32 v12, $0x3;
	v4 =	vand.u32 $0x7FFFFC00, v2  }
0x173: {  	v17 =	vld [tilespmem:s10+$0xFFFFFFB0];
	v2 =	vand.u32 $0x7FFFFC00, v10;
	v3 =	vand.u32 $0x7FFFFC00, v11;
	v22 =	vor.u32 $0x200, v1  }
0x174: {  	v18 =	vld [tilespmem:s10+$0xFFFFFFC0];
	v11 =	vand.u32 $0x7F, v8;
	v10 =	vand.u32 $0x7F, v9;
	v8 =	vand.u32 $0x7FFFFC00, v19  }
0x175: {  	v20 =	vld [tilespmem:s10+$0xFFFFFFE0];
	v12 =	vand.u32 $0x7F, v12;
	v9 =	vand.u32 $0x7F, v14;
	v14 =	vand.u32 $0x7F, v15  }
0x176: {  	v19 =	vld [tilespmem:s10+$0xFFFFFFD0];
	v15 =	vand.u32 $0x7F, v21;
	v5 =	vand.u32 $0x7FFFFC00, v5;
	v24 =	vor.u32 v6, v11  }
0x177: {  	v21 =	vld [tilespmem:s10+$0xFFFFFFF0];
	v26 =	vor.u32 v4, v10;
	v28 =	vor.u32 v2, v9;
	v29 =	vor.u32 v3, v14  }
0x178: {  	s17 =	simm.s32 $0x0;
	s16 =	simm.s32 $0x8770;
	v27 =	vor.u32 v5, v12;
	[tilespmem:v22+s12+$0x0] =	vst.idx.msk $0xffff, v23;
	v22 =	vld [tilespmem:s10+$0xFFFFFF90];
	v23 =	vor.u32 v8, v15  }
.LBB2_11:
0x179: {  	s2 =	sadd.s32 s17, s19;
	s17 =	sadd.s32 $0x80, s17;
	v24 =	vor.u32 $0x200, v24;
	v26 =	vor.u32 $0x200, v26;
	v27 =	vor.u32 $0x200, v27  }
0x17a: {  	v25 =	vor.u32 $0x200, v25;
	v28 =	vor.u32 $0x200, v28;
	v29 =	vor.u32 $0x200, v29;
	s24 =	sadd.s32 $0x80, s2;
	s25 =	sadd.s32 $0xF0, s2;
	p5 =	slt.u32 s17, $0xF80  }
0x17b: {  	v23 =	vor.u32 $0x200, v23;
	s26 =	sadd.s32 $0xA0, s2;
	s28 =	sadd.s32 $0xB0, s2;
	v30 =	vadd.s32 s24, v0;
	s24 =	sadd.s32 $0x90, s2;
	v31 =	vadd.s32 s25, v0  }
0x17c: {  	v33 =	vadd.s32 s26, v0;
	s25 =	sadd.s32 $0xD0, s2;
	v32 =	vadd.s32 s24, v0;
	s24 =	sadd.s32 $0xC0, s2;
	s2 =	sadd.s32 $0xE0, s2;
	v34 =	vshll.u32 v31, $0x3  }
0x17d: {  	v35 =	vadd.s32 s28, v0;
	v31 =	vand.u32 $0x7F, v31;
	v34 =	vand.u32 $0x7FFFFC00, v34  }
0x17e: {  	s10 =	sadd.s32 $0x400, s10;
	v37 =	vadd.s32 s25, v0;
	v36 =	vadd.s32 s24, v0;
	v31 =	vor.u32 v34, v31;
	[tilespmem:v24+s12+$0x0] =	vst.idx.msk $0xffff, v22  }
0x17f: {  	v22 =	vshll.u32 v30, $0x3;
	v34 =	vadd.s32 s2, v0;
	v24 =	vld [tilespmem:s10+$0x0];
	v31 =	vor.u32 $0x200, v31;
	[tilespmem:v26+s12+$0x0] =	vst.idx.msk $0xffff, v16  }
0x180: {  	v38 =	vshll.u32 v33, $0x3;
	v39 =	vshll.u32 v35, $0x3;
	v26 =	vshll.u32 v32, $0x3;
	v16 =	vld [tilespmem:s10+$0xFFFFFFA0];
	[tilespmem:v27+s12+$0x0] =	vst.idx.msk $0xffff, v17  }
0x181: {  	v40 =	vshll.u32 v37, $0x3;
	v41 =	vshll.u32 v34, $0x3;
	v27 =	vshll.u32 v36, $0x3;
	v17 =	vld [tilespmem:s10+$0xFFFFFFB0];
	[tilespmem:v25+s12+$0x0] =	vst.idx.msk $0xffff, v18  }
0x182: {  	v38 =	vand.u32 $0x7FFFFC00, v38;
	v26 =	vand.u32 $0x7FFFFC00, v26;
	v25 =	vand.u32 $0xFC00, v22;
	v18 =	vld [tilespmem:s10+$0xFFFFFFC0];
	[tilespmem:v28+s12+$0x0] =	vst.idx.msk $0xffff, v19  }
0x183: {  	v40 =	vand.u32 $0x7FFFFC00, v40;
	v28 =	vand.u32 $0x7FFFFC00, v39;
	v39 =	vand.u32 $0x7FFFFC00, v27;
	v19 =	vld [tilespmem:s10+$0xFFFFFFD0];
	[tilespmem:v29+s12+$0x0] =	vst.idx.msk $0xffff, v20  }
.Ltmp4:
0x184: {  	v27 =	vand.u32 $0x7F, v30;
	v30 =	vand.u32 $0x7FFFFC00, v41;
	v29 =	vand.u32 $0x7F, v32;
	v20 =	vld [tilespmem:s10+$0xFFFFFFE0];
	[tilespmem:v31+s12+$0x0] =	vst.idx.msk $0xffff, v24;
	(pc) =	sbr.rel @p5 .LBB2_11-.Ltmp4, $4  }
0x185: {  	v32 =	vand.u32 $0x7F, v35;
	v31 =	vand.u32 $0x7F, v33;
	v33 =	vand.u32 $0x7F, v36;
	[tilespmem:v23+s12+$0x0] =	vst.idx.msk $0xffff, v21;
	v21 =	vld [tilespmem:s10+$0xFFFFFFF0]  }
0x186: {  	v34 =	vand.u32 $0x7F, v34;
	v24 =	vor.u32 v25, v27;
	v23 =	vand.u32 $0x7F, v37;
	v22 =	vld [tilespmem:s10+$0xFFFFFF90]  }
0x187: {  	v26 =	vor.u32 v26, v29;
	v25 =	vor.u32 v28, v32;
	v27 =	vor.u32 v38, v31  }
0x188: {  	v28 =	vor.u32 v39, v33;
	v29 =	vor.u32 v40, v23;
	v23 =	vor.u32 v30, v34  }
0x189: {  	v24 =	vor.u32 $0x200, v24  }
0x18a: {  	v26 =	vor.u32 $0x200, v26  }
0x18b: {  	v27 =	vor.u32 $0x200, v27  }
0x18c: {  	v25 =	vor.u32 $0x200, v25  }
0x18d: {  	v28 =	vor.u32 $0x200, v28  }
0x18e: {  	v29 =	vor.u32 $0x200, v29;
	[tilespmem:v24+s12+$0x0] =	vst.idx.msk $0xffff, v22  }
0x18f: {  	v62 =	vor.u32 $0x200, v23;
	[tilespmem:v26+s12+$0x0] =	vst.idx.msk $0xffff, v16  }
0x190: {  	[tilespmem:v27+s12+$0x0] =	vst.idx.msk $0xffff, v17  }
0x191: {  	[tilespmem:v25+s12+$0x0] =	vst.idx.msk $0xffff, v18  }
0x192: {  	[tilespmem:v28+s12+$0x0] =	vst.idx.msk $0xffff, v19  }
0x193: {  	[tilespmem:v29+s12+$0x0] =	vst.idx.msk $0xffff, v20  }
0x194: {  	[tilespmem:v62+s12+$0x0] =	vst.idx.msk $0xffff, v21  }
0x195: {  	v20 =	vld [tilespmem:s16+$0x0]  }
0x196: {  	v19 =	vld [tilespmem:s16+$0xFFFFFFA0]  }
0x197: {  	v63 =	vor.u32 $0x280, v1;
	v18 =	vld [tilespmem:s16+$0xFFFFFFB0]  }
0x198: {  	v17 =	vld [tilespmem:s16+$0xFFFFFFC0]  }
0x199: {  	v1 =	vld [tilespmem:s16+$0xFFFFFFD0]  }
0x19a: {  	v11 =	vor.u32 v6, v11;
	v10 =	vor.u32 v4, v10;
	v16 =	vld [tilespmem:s16+$0xFFFFFFE0]  }
0x19b: {  	v12 =	vor.u32 v5, v12;
	v5 =	vor.u32 v7, v13;
	v7 =	vor.u32 v2, v9;
	v6 =	vld [tilespmem:s16+$0xFFFFFFF0]  }
0x19c: {  	s17 =	simm.s32 $0x0;
	s10 =	simm.s32 $0x87F0;
	v3 =	vor.u32 v3, v14;
	v2 =	vor.u32 v8, v15;
	v4 =	vld [tilespmem:s16+$0xFFFFFF90];
	[tilespmem:v63+s12+$0x0] =	vst.idx.msk $0xffff, v20  }
.LBB2_13:
0x19d: {  	s2 =	sadd.s32 s17, s19;
	s17 =	sadd.s32 $0x80, s17;
	v8 =	vor.u32 $0x280, v11;
	v9 =	vor.u32 $0x280, v10;
	v10 =	vor.u32 $0x280, v12  }
0x19e: {  	v5 =	vor.u32 $0x280, v5;
	v7 =	vor.u32 $0x280, v7;
	v3 =	vor.u32 $0x280, v3;
	s24 =	sadd.s32 $0x80, s2;
	s25 =	sadd.s32 $0xF0, s2;
	p5 =	slt.u32 s17, $0xF80  }
0x19f: {  	v2 =	vor.u32 $0x280, v2;
	s26 =	sadd.s32 $0xA0, s2;
	s28 =	sadd.s32 $0xB0, s2;
	v11 =	vadd.s32 s24, v0;
	s24 =	sadd.s32 $0x90, s2;
	v12 =	vadd.s32 s25, v0  }
0x1a0: {  	v14 =	vadd.s32 s26, v0;
	s25 =	sadd.s32 $0xD0, s2;
	v13 =	vadd.s32 s24, v0;
	s24 =	sadd.s32 $0xC0, s2;
	s2 =	sadd.s32 $0xE0, s2;
	v15 =	vshll.u32 v12, $0x3  }
0x1a1: {  	v20 =	vadd.s32 s28, v0;
	v12 =	vand.u32 $0x7F, v12;
	v15 =	vand.u32 $0x7FFFFC00, v15  }
0x1a2: {  	s16 =	sadd.s32 $0x400, s16;
	v22 =	vadd.s32 s25, v0;
	v21 =	vadd.s32 s24, v0;
	v12 =	vor.u32 v15, v12;
	[tilespmem:v8+s12+$0x0] =	vst.idx.msk $0xffff, v4  }
0x1a3: {  	v4 =	vshll.u32 v11, $0x3;
	v8 =	vadd.s32 s2, v0;
	v15 =	vld [tilespmem:s16+$0x0];
	v12 =	vor.u32 $0x280, v12;
	[tilespmem:v9+s12+$0x0] =	vst.idx.msk $0xffff, v19  }
0x1a4: {  	v23 =	vshll.u32 v14, $0x3;
	v24 =	vshll.u32 v20, $0x3;
	v9 =	vshll.u32 v13, $0x3;
	v19 =	vld [tilespmem:s16+$0xFFFFFFA0];
	[tilespmem:v10+s12+$0x0] =	vst.idx.msk $0xffff, v18  }
0x1a5: {  	v25 =	vshll.u32 v22, $0x3;
	v26 =	vshll.u32 v8, $0x3;
	v10 =	vshll.u32 v21, $0x3;
	v18 =	vld [tilespmem:s16+$0xFFFFFFB0];
	[tilespmem:v5+s12+$0x0] =	vst.idx.msk $0xffff, v17  }
0x1a6: {  	v23 =	vand.u32 $0x7FFFFC00, v23;
	v9 =	vand.u32 $0x7FFFFC00, v9;
	v5 =	vand.u32 $0xFC00, v4;
	v17 =	vld [tilespmem:s16+$0xFFFFFFC0];
	[tilespmem:v7+s12+$0x0] =	vst.idx.msk $0xffff, v1  }
0x1a7: {  	v25 =	vand.u32 $0x7FFFFC00, v25;
	v7 =	vand.u32 $0x7FFFFC00, v24;
	v24 =	vand.u32 $0x7FFFFC00, v10;
	v1 =	vld [tilespmem:s16+$0xFFFFFFD0];
	[tilespmem:v3+s12+$0x0] =	vst.idx.msk $0xffff, v16  }
.Ltmp5:
0x1a8: {  	v10 =	vand.u32 $0x7F, v13;
	v13 =	vand.u32 $0x7FFFFC00, v26;
	v3 =	vand.u32 $0x7F, v11;
	v16 =	vld [tilespmem:s16+$0xFFFFFFE0];
	[tilespmem:v12+s12+$0x0] =	vst.idx.msk $0xffff, v15;
	(pc) =	sbr.rel @p5 .LBB2_13-.Ltmp5, $4  }
0x1a9: {  	v12 =	vand.u32 $0x7F, v14;
	v14 =	vand.u32 $0x7F, v20;
	v15 =	vand.u32 $0x7F, v21;
	[tilespmem:v2+s12+$0x0] =	vst.idx.msk $0xffff, v6;
	v6 =	vld [tilespmem:s16+$0xFFFFFFF0]  }
0x1aa: {  	v8 =	vand.u32 $0x7F, v8;
	v11 =	vor.u32 v5, v3;
	v2 =	vand.u32 $0x7F, v22;
	v4 =	vld [tilespmem:s16+$0xFFFFFF90]  }
0x1ab: {  	v10 =	vor.u32 v9, v10;
	v12 =	vor.u32 v23, v12;
	v5 =	vor.u32 v7, v14  }
0x1ac: {  	v7 =	vor.u32 v24, v15;
	v3 =	vor.u32 v25, v2;
	v2 =	vor.u32 v13, v8  }
0x1ad: {  	v8 =	vor.u32 $0x280, v11  }
0x1ae: {  	v9 =	vor.u32 $0x280, v10  }
0x1af: {  	v10 =	vor.u32 $0x280, v12  }
0x1b0: {  	v7 =	vor.u32 $0x280, v7  }
0x1b1: {  	s2 =	sadd.s32 $0xFFFFFF80, s19;
	v3 =	vor.u32 $0x280, v3  }
0x1b2: {  	v5 =	vor.u32 $0x280, v5;
	v2 =	vor.u32 $0x280, v2;
	s16 =	sadd.s32 $0x80, s2;
	s25 =	sadd.s32 $0xB0, s2;
	s26 =	sadd.s32 $0xC0, s2;
	[tilespmem:v8+s12+$0x0] =	vst.idx.msk $0xffff, v4  }
0x1b3: {  	s17 =	sadd.s32 $0xF0, s2;
	s28 =	sadd.s32 $0x90, s2;
	s24 =	sadd.s32 $0xA0, s2;
	v13 =	vadd.s32 s25, v0;
	v14 =	vadd.s32 s26, v0;
	[tilespmem:v9+s12+$0x0] =	vst.idx.msk $0xffff, v19;
	v8 =	vadd.s32 s16, v0  }
0x1b4: {  	v4 =	vadd.s32 s17, v0;
	[tilespmem:v10+s12+$0x0] =	vst.idx.msk $0xffff, v18;
	v9 =	vadd.s32 s28, v0;
	v10 =	vadd.s32 s24, v0  }
0x1b5: {  	s28 =	sadd.s32 $0xD0, s2;
	[tilespmem:v7+s12+$0x0] =	vst.idx.msk $0xffff, v1;
	v7 =	vshll.u32 v13, $0x3;
	v13 =	vand.u32 $0x7F, v13;
	v11 =	vshll.u32 v4, $0x3  }
0x1b6: {  	s2 =	sadd.s32 $0xE0, s2;
	[tilespmem:v3+s12+$0x0] =	vst.idx.msk $0xffff, v16;
	v4 =	vand.u32 $0x7F, v4;
	v15 =	vadd.s32 s28, v0;
	v3 =	vshll.u32 v8, $0x3  }
0x1b7: {  	[tilespmem:v2+s12+$0x0] =	vst.idx.msk $0xffff, v6;
	v21 =	vadd.s32 s2, v0;
	v2 =	vshll.u32 v9, $0x3;
	v7 =	vand.u32 $0x7FFFFC00, v7  }
0x1b8: {  	[tilespmem:v5+s12+$0x0] =	vst.idx.msk $0xffff, v17;
	v9 =	vand.u32 $0x7F, v9;
	v5 =	vand.u32 $0x7FFFFC00, v11;
	v11 =	vshll.u32 v14, $0x3  }
0x1b9: {  	v23 =	vld [tilespmem:s10+$0x0];
	v12 =	vshll.u32 v15, $0x3;
	v19 =	vshll.u32 v21, $0x3;
	v6 =	vand.u32 $0xFC00, v3  }
0x1ba: {  	v16 =	vld [tilespmem:s10+$0xFFFFFFA0];
	v25 =	vor.u32 v7, v13;
	v1 =	vor.u32 v5, v4;
	v5 =	vshll.u32 v10, $0x3  }
0x1bb: {  	v17 =	vld [tilespmem:s10+$0xFFFFFFB0];
	v4 =	vand.u32 $0x7FFFFC00, v2;
	v2 =	vand.u32 $0x7FFFFC00, v11;
	v22 =	vor.u32 $0x300, v1  }
0x1bc: {  	v18 =	vld [tilespmem:s10+$0xFFFFFFC0];
	v3 =	vand.u32 $0x7FFFFC00, v12;
	v11 =	vand.u32 $0x7F, v8;
	v8 =	vand.u32 $0x7FFFFC00, v19  }
0x1bd: {  	v20 =	vld [tilespmem:s10+$0xFFFFFFE0];
	v12 =	vand.u32 $0x7F, v10;
	v10 =	vand.u32 $0x7F, v14;
	v14 =	vand.u32 $0x7F, v15  }
0x1be: {  	v19 =	vld [tilespmem:s10+$0xFFFFFFD0];
	v15 =	vand.u32 $0x7F, v21;
	v5 =	vand.u32 $0x7FFFFC00, v5;
	v24 =	vor.u32 v6, v11  }
0x1bf: {  	v21 =	vld [tilespmem:s10+$0xFFFFFFF0];
	v26 =	vor.u32 v4, v9;
	v28 =	vor.u32 v2, v10;
	v29 =	vor.u32 v3, v14  }
0x1c0: {  	s17 =	simm.s32 $0x0;
	s16 =	simm.s32 $0x8870;
	v27 =	vor.u32 v5, v12;
	[tilespmem:v22+s12+$0x0] =	vst.idx.msk $0xffff, v23;
	v22 =	vld [tilespmem:s10+$0xFFFFFF90];
	v23 =	vor.u32 v8, v15  }
.LBB2_15:
0x1c1: {  	s2 =	sadd.s32 s17, s19;
	s17 =	sadd.s32 $0x80, s17;
	v24 =	vor.u32 $0x300, v24;
	v26 =	vor.u32 $0x300, v26;
	v27 =	vor.u32 $0x300, v27  }
0x1c2: {  	v25 =	vor.u32 $0x300, v25;
	v28 =	vor.u32 $0x300, v28;
	v29 =	vor.u32 $0x300, v29;
	s24 =	sadd.s32 $0x80, s2;
	s25 =	sadd.s32 $0xF0, s2;
	p5 =	slt.u32 s17, $0xF80  }
0x1c3: {  	v23 =	vor.u32 $0x300, v23;
	s26 =	sadd.s32 $0xA0, s2;
	s28 =	sadd.s32 $0xB0, s2;
	v30 =	vadd.s32 s24, v0;
	s24 =	sadd.s32 $0x90, s2;
	v31 =	vadd.s32 s25, v0  }
0x1c4: {  	v33 =	vadd.s32 s26, v0;
	s25 =	sadd.s32 $0xD0, s2;
	v32 =	vadd.s32 s24, v0;
	s24 =	sadd.s32 $0xC0, s2;
	s2 =	sadd.s32 $0xE0, s2;
	v34 =	vshll.u32 v31, $0x3  }
0x1c5: {  	v35 =	vadd.s32 s28, v0;
	v31 =	vand.u32 $0x7F, v31;
	v34 =	vand.u32 $0x7FFFFC00, v34  }
0x1c6: {  	s10 =	sadd.s32 $0x400, s10;
	v37 =	vadd.s32 s25, v0;
	v36 =	vadd.s32 s24, v0;
	v31 =	vor.u32 v34, v31;
	[tilespmem:v24+s12+$0x0] =	vst.idx.msk $0xffff, v22  }
0x1c7: {  	v22 =	vshll.u32 v30, $0x3;
	v34 =	vadd.s32 s2, v0;
	v24 =	vld [tilespmem:s10+$0x0];
	v31 =	vor.u32 $0x300, v31;
	[tilespmem:v26+s12+$0x0] =	vst.idx.msk $0xffff, v16  }
0x1c8: {  	v38 =	vshll.u32 v33, $0x3;
	v39 =	vshll.u32 v35, $0x3;
	v26 =	vshll.u32 v32, $0x3;
	v16 =	vld [tilespmem:s10+$0xFFFFFFA0];
	[tilespmem:v27+s12+$0x0] =	vst.idx.msk $0xffff, v17  }
0x1c9: {  	v40 =	vshll.u32 v37, $0x3;
	v41 =	vshll.u32 v34, $0x3;
	v27 =	vshll.u32 v36, $0x3;
	v17 =	vld [tilespmem:s10+$0xFFFFFFB0];
	[tilespmem:v25+s12+$0x0] =	vst.idx.msk $0xffff, v18  }
0x1ca: {  	v38 =	vand.u32 $0x7FFFFC00, v38;
	v26 =	vand.u32 $0x7FFFFC00, v26;
	v25 =	vand.u32 $0xFC00, v22;
	v18 =	vld [tilespmem:s10+$0xFFFFFFC0];
	[tilespmem:v28+s12+$0x0] =	vst.idx.msk $0xffff, v19  }
0x1cb: {  	v40 =	vand.u32 $0x7FFFFC00, v40;
	v28 =	vand.u32 $0x7FFFFC00, v39;
	v39 =	vand.u32 $0x7FFFFC00, v27;
	v19 =	vld [tilespmem:s10+$0xFFFFFFD0];
	[tilespmem:v29+s12+$0x0] =	vst.idx.msk $0xffff, v20  }
.Ltmp6:
0x1cc: {  	v27 =	vand.u32 $0x7F, v30;
	v30 =	vand.u32 $0x7FFFFC00, v41;
	v29 =	vand.u32 $0x7F, v32;
	v20 =	vld [tilespmem:s10+$0xFFFFFFE0];
	[tilespmem:v31+s12+$0x0] =	vst.idx.msk $0xffff, v24;
	(pc) =	sbr.rel @p5 .LBB2_15-.Ltmp6, $4  }
0x1cd: {  	v32 =	vand.u32 $0x7F, v35;
	v31 =	vand.u32 $0x7F, v33;
	v33 =	vand.u32 $0x7F, v36;
	[tilespmem:v23+s12+$0x0] =	vst.idx.msk $0xffff, v21;
	v21 =	vld [tilespmem:s10+$0xFFFFFFF0]  }
0x1ce: {  	v34 =	vand.u32 $0x7F, v34;
	v24 =	vor.u32 v25, v27;
	v23 =	vand.u32 $0x7F, v37;
	v22 =	vld [tilespmem:s10+$0xFFFFFF90]  }
0x1cf: {  	v26 =	vor.u32 v26, v29;
	v25 =	vor.u32 v28, v32;
	v27 =	vor.u32 v38, v31  }
0x1d0: {  	v28 =	vor.u32 v39, v33;
	v29 =	vor.u32 v40, v23;
	v23 =	vor.u32 v30, v34  }
0x1d1: {  	v24 =	vor.u32 $0x300, v24  }
0x1d2: {  	v26 =	vor.u32 $0x300, v26  }
0x1d3: {  	v27 =	vor.u32 $0x300, v27  }
0x1d4: {  	v25 =	vor.u32 $0x300, v25  }
0x1d5: {  	v28 =	vor.u32 $0x300, v28  }
0x1d6: {  	v29 =	vor.u32 $0x300, v29;
	[tilespmem:v24+s12+$0x0] =	vst.idx.msk $0xffff, v22  }
0x1d7: {  	v62 =	vor.u32 $0x300, v23;
	[tilespmem:v26+s12+$0x0] =	vst.idx.msk $0xffff, v16  }
0x1d8: {  	[tilespmem:v27+s12+$0x0] =	vst.idx.msk $0xffff, v17  }
0x1d9: {  	[tilespmem:v25+s12+$0x0] =	vst.idx.msk $0xffff, v18  }
0x1da: {  	[tilespmem:v28+s12+$0x0] =	vst.idx.msk $0xffff, v19  }
0x1db: {  	[tilespmem:v29+s12+$0x0] =	vst.idx.msk $0xffff, v20  }
0x1dc: {  	[tilespmem:v62+s12+$0x0] =	vst.idx.msk $0xffff, v21  }
0x1dd: {  	v20 =	vld [tilespmem:s16+$0x0]  }
0x1de: {  	v63 =	vor.u32 $0x380, v1;
	v1 =	vld [tilespmem:s16+$0xFFFFFFA0]  }
0x1df: {  	v16 =	vld [tilespmem:s16+$0xFFFFFFB0]  }
0x1e0: {  	v19 =	vld [tilespmem:s16+$0xFFFFFFC0]  }
0x1e1: {  	v17 =	vld [tilespmem:s16+$0xFFFFFFD0]  }
0x1e2: {  	v11 =	vor.u32 v6, v11;
	v9 =	vor.u32 v4, v9;
	v18 =	vld [tilespmem:s16+$0xFFFFFFE0]  }
0x1e3: {  	v12 =	vor.u32 v5, v12;
	v5 =	vor.u32 v7, v13;
	v7 =	vor.u32 v2, v10;
	v6 =	vld [tilespmem:s16+$0xFFFFFFF0]  }
0x1e4: {  	s10 =	simm.s32 $0x0;
	v3 =	vor.u32 v3, v14;
	v2 =	vor.u32 v8, v15;
	v4 =	vld [tilespmem:s16+$0xFFFFFF90];
	[tilespmem:v63+s12+$0x0] =	vst.idx.msk $0xffff, v20  }
.LBB2_17:
0x1e5: {  	s2 =	sadd.s32 s10, s19;
	s10 =	sadd.s32 $0x80, s10;
	v8 =	vor.u32 $0x380, v11;
	v9 =	vor.u32 $0x380, v9;
	v10 =	vor.u32 $0x380, v12  }
0x1e6: {  	v5 =	vor.u32 $0x380, v5;
	v7 =	vor.u32 $0x380, v7;
	v3 =	vor.u32 $0x380, v3;
	s17 =	sadd.s32 $0x80, s2;
	s24 =	sadd.s32 $0xF0, s2;
	p5 =	slt.u32 s10, $0xF80  }
0x1e7: {  	v2 =	vor.u32 $0x380, v2;
	s25 =	sadd.s32 $0xA0, s2;
	s26 =	sadd.s32 $0xB0, s2;
	v11 =	vadd.s32 s17, v0;
	s17 =	sadd.s32 $0x90, s2;
	v12 =	vadd.s32 s24, v0  }
0x1e8: {  	v14 =	vadd.s32 s25, v0;
	s24 =	sadd.s32 $0xD0, s2;
	v13 =	vadd.s32 s17, v0;
	s17 =	sadd.s32 $0xC0, s2;
	s2 =	sadd.s32 $0xE0, s2;
	v15 =	vshll.u32 v12, $0x3  }
0x1e9: {  	v20 =	vadd.s32 s26, v0;
	v12 =	vand.u32 $0x7F, v12;
	v15 =	vand.u32 $0x7FFFFC00, v15  }
0x1ea: {  	s16 =	sadd.s32 $0x400, s16;
	v22 =	vadd.s32 s24, v0;
	v21 =	vadd.s32 s17, v0;
	v12 =	vor.u32 v15, v12;
	[tilespmem:v8+s12+$0x0] =	vst.idx.msk $0xffff, v4  }
0x1eb: {  	v4 =	vshll.u32 v11, $0x3;
	v8 =	vadd.s32 s2, v0;
	v15 =	vld [tilespmem:s16+$0x0];
	v12 =	vor.u32 $0x380, v12;
	[tilespmem:v9+s12+$0x0] =	vst.idx.msk $0xffff, v1  }
0x1ec: {  	v23 =	vshll.u32 v14, $0x3;
	v24 =	vshll.u32 v20, $0x3;
	v9 =	vshll.u32 v13, $0x3;
	v1 =	vld [tilespmem:s16+$0xFFFFFFA0];
	[tilespmem:v10+s12+$0x0] =	vst.idx.msk $0xffff, v16  }
0x1ed: {  	v25 =	vshll.u32 v22, $0x3;
	v26 =	vshll.u32 v8, $0x3;
	v10 =	vshll.u32 v21, $0x3;
	v16 =	vld [tilespmem:s16+$0xFFFFFFB0];
	[tilespmem:v5+s12+$0x0] =	vst.idx.msk $0xffff, v19  }
0x1ee: {  	v23 =	vand.u32 $0x7FFFFC00, v23;
	v9 =	vand.u32 $0x7FFFFC00, v9;
	v5 =	vand.u32 $0xFC00, v4;
	v19 =	vld [tilespmem:s16+$0xFFFFFFC0];
	[tilespmem:v7+s12+$0x0] =	vst.idx.msk $0xffff, v17  }
0x1ef: {  	v10 =	vand.u32 $0x7FFFFC00, v10;
	v7 =	vand.u32 $0x7FFFFC00, v24;
	v24 =	vand.u32 $0x7FFFFC00, v25;
	v17 =	vld [tilespmem:s16+$0xFFFFFFD0];
	[tilespmem:v3+s12+$0x0] =	vst.idx.msk $0xffff, v18  }
.Ltmp7:
0x1f0: {  	v13 =	vand.u32 $0x7F, v13;
	v25 =	vand.u32 $0x7FFFFC00, v26;
	v3 =	vand.u32 $0x7F, v11;
	v18 =	vld [tilespmem:s16+$0xFFFFFFE0];
	[tilespmem:v12+s12+$0x0] =	vst.idx.msk $0xffff, v15;
	(pc) =	sbr.rel @p5 .LBB2_17-.Ltmp7, $4  }
0x1f1: {  	v12 =	vand.u32 $0x7F, v14;
	v14 =	vand.u32 $0x7F, v20;
	v15 =	vand.u32 $0x7F, v21;
	[tilespmem:v2+s12+$0x0] =	vst.idx.msk $0xffff, v6;
	v6 =	vld [tilespmem:s16+$0xFFFFFFF0]  }
0x1f2: {  	v8 =	vand.u32 $0x7F, v8;
	v11 =	vor.u32 v5, v3;
	v2 =	vand.u32 $0x7F, v22;
	v4 =	vld [tilespmem:s16+$0xFFFFFF90]  }
0x1f3: {  	v9 =	vor.u32 v9, v13;
	v12 =	vor.u32 v23, v12;
	v5 =	vor.u32 v7, v14  }
0x1f4: {  	v7 =	vor.u32 v10, v15;
	v3 =	vor.u32 v24, v2;
	v2 =	vor.u32 v25, v8  }
0x1f5: {  	v8 =	vor.u32 $0x380, v11  }
0x1f6: {  	v9 =	vor.u32 $0x380, v9  }
0x1f7: {  	v10 =	vor.u32 $0x380, v12  }
0x1f8: {  	v5 =	vor.u32 $0x380, v5  }
0x1f9: {  	v7 =	vor.u32 $0x380, v7  }
0x1fa: {  	v3 =	vor.u32 $0x380, v3;
	[tilespmem:v8+s12+$0x0] =	vst.idx.msk $0xffff, v4  }
0x1fb: {  	v2 =	vor.u32 $0x380, v2;
	[tilespmem:v9+s12+$0x0] =	vst.idx.msk $0xffff, v1  }
0x1fc: {  	[tilespmem:v10+s12+$0x0] =	vst.idx.msk $0xffff, v16  }
0x1fd: {  	[tilespmem:v5+s12+$0x0] =	vst.idx.msk $0xffff, v19  }
0x1fe: {  	[tilespmem:v7+s12+$0x0] =	vst.idx.msk $0xffff, v17  }
0x1ff: {  	[tilespmem:v3+s12+$0x0] =	vst.idx.msk $0xffff, v18  }
0x200: {  	[tilespmem:v2+s12+$0x0] =	vst.idx.msk $0xffff, v6  }
0x201: {  	s2 =	sld [smem:$0x7DA];
	_ =	sdelay $0x2  }
0x202: {  	s24 =	simm.s32 $0x0;
	s2 =	sadd.s32 s3, s2  }
0x203: {  	[hbm4b:s2+s24] =	stream.linear.scatter [tilespmem:s12], [sflag:$0x4], $0x8400, $0x38;
	[tilespmem:$0x18080] =	vst v63  }
0x204: {  	s2 =	simm.s32 @!p2 $0x1  }
0x205: {  	_ =	swait.ge @!p2 [sflag:s2], $0x800  }
0x206: {  	[sflag:s2] =	ssyncset.done @!p2 $0x0  }
0x207: {  	[sflag:s2] =	ssyncadd.s32 @!p2 $0xFFFFF800;
	s2 =	simm.s32 @!p0 $0x1  }
0x208: {  	_ =	swait.ge @!p0 [sflag:s2], $0x800  }
0x209: {  	[sflag:s2] =	ssyncset.done @!p0 $0x0  }
0x20a: {  	[sflag:s2] =	ssyncadd.s32 @!p0 $0xFFFFF800;
	s2 =	simm.s32 @!p1 $0x1  }
0x20b: {  	_ =	swait.ge @!p1 [sflag:s2], $0x400  }
0x20c: {  	s10 =	sld [smem:$0x7FC];
	_ =	sdelay $0x2  }
0x20d: {  	[sflag:s2] =	ssyncset.done @!p1 $0x0;
	p4 =	seq.s32 s10, $0x1  }
0x20e: {  	[sflag:s2] =	ssyncadd.s32 @!p1 $0xFFFFFC00;
	s2 =	simm.s32 @!p4 $0x1  }
0x20f: {  	_ =	swait.ge @!p4 [sflag:s2], $0x400  }
0x210: {  	[sflag:s2] =	ssyncset.done @!p4 $0x0  }
0x211: {  	[sflag:s2] =	ssyncadd.s32 @!p4 $0xFFFFFC00;
	s2 =	simm.s32 @!p3 $0x1  }
0x212: {  	_ =	swait.ge @!p3 [sflag:s2], $0x200  }
0x213: {  	s16 =	sld [smem:$0x7F4];
	_ =	sdelay $0x2  }
0x214: {  	[sflag:s2] =	ssyncset.done @!p3 $0x0;
	p5 =	seq.s32 s16, $0x1  }
0x215: {  	[sflag:s2] =	ssyncadd.s32 @!p3 $0xFFFFFE00;
	s2 =	simm.s32 @!p5 $0x1  }
0x216: {  	_ =	swait.ge @!p5 [sflag:s2], $0x200  }
0x217: {  	s17 =	sld [smem:$0x7F5];
	_ =	sdelay $0x2  }
0x218: {  	[sflag:s2] =	ssyncset.done @!p5 $0x0;
	p4 =	seq.s32 s17, $0x1  }
0x219: {  	[sflag:s2] =	ssyncadd.s32 @!p5 $0xFFFFFE00;
	s2 =	simm.s32 @!p4 $0x1  }
0x21a: {  	_ =	swait.ge @!p4 [sflag:s2], $0x100  }
0x21b: {  	s25 =	sld [smem:$0x7F6];
	_ =	sdelay $0x2  }
0x21c: {  	[sflag:s2] =	ssyncset.done @!p4 $0x0;
	p6 =	seq.s32 s25, $0x1  }
0x21d: {  	[sflag:s2] =	ssyncadd.s32 @!p4 $0xFFFFFF00;
	s2 =	simm.s32 @!p6 $0x1  }
0x21e: {  	_ =	swait.ge @!p6 [sflag:s2], $0x100  }
0x21f: {  	s26 =	sld [smem:$0x7F7];
	_ =	sdelay $0x2  }
0x220: {  	[sflag:s2] =	ssyncset.done @!p6 $0x0;
	p3 =	seq.s32 s26, $0x1  }
0x221: {  	[sflag:s2] =	ssyncadd.s32 @!p6 $0xFFFFFF00;
	s2 =	simm.s32 @!p3 $0x1  }
0x222: {  	_ =	swait.ge @!p3 [sflag:s2], $0x80  }
0x223: {  	s28 =	sld [smem:$0x7F8];
	_ =	sdelay $0x2  }
0x224: {  	[sflag:s2] =	ssyncset.done @!p3 $0x0;
	p2 =	seq.s32 s28, $0x1  }
0x225: {  	[sflag:s2] =	ssyncadd.s32 @!p3 $0xFFFFFF80;
	s2 =	simm.s32 @!p2 $0x1  }
0x226: {  	_ =	swait.ge @!p2 [sflag:s2], $0x80  }
0x227: {  	s10 =	sld [smem:$0x7F1]  }
0x228: {  	[sflag:s2] =	ssyncset.done @!p2 $0x0  }
0x229: {  	[sflag:s2] =	ssyncadd.s32 @!p2 $0xFFFFFF80;
	s2 =	sld [smem:$0x7DB]  }
0x22a: {  	p1 =	por p0, p0;
	p0 =	seq.s32 s10, $0x1;
	s10 =	sld [smem:$0x7DC]  }
0x22b: {  	s16 =	sld [smem:$0x7DD];
	_ =	sdelay $0x1  }
0x22c: {  	s2 =	sadd.s32 @!p0 s3, s2;
	s10 =	sor.u32 @!p0 $0x1C05, s10  }
0x22d: {  	[hbm:s2], [sflag:s10] =	dma.local @!p0 [spmem:s16], $0x800  }
0x22e: {  	s2 =	sld [smem:$0x7DE]  }
0x22f: {  	s10 =	sld [smem:$0x7DF]  }
0x230: {  	s16 =	sld [smem:$0x7E0];
	_ =	sdelay $0x1  }
0x231: {  	s2 =	sadd.s32 @!p1 s3, s2;
	s10 =	sor.u32 @!p1 $0x1C05, s10  }
0x232: {  	[hbm:s2], [sflag:s10] =	dma.local @!p1 [spmem:s16], $0x800  }
0x233: {  	s10 =	sld [smem:$0x7F3];
	_ =	sdelay $0x1  }
0x234: {  	s2 =	sld [smem:$0x7E1]  }
0x235: {  	p0 =	seq.s32 s10, $0x1;
	s10 =	sld [smem:$0x7E2]  }
0x236: {  	s16 =	sld [smem:$0x7E3];
	_ =	sdelay $0x1  }
0x237: {  	s2 =	sadd.s32 @!p0 s3, s2;
	s10 =	sor.u32 @!p0 $0x1C05, s10  }
0x238: {  	[hbm:s2], [sflag:s10] =	dma.local @!p0 [spmem:s16], $0x400  }
0x239: {  	s2 =	sld [smem:$0x7FC];
	_ =	sdelay $0x1  }
0x23a: {  	s10 =	sld [smem:$0x7E5]  }
0x23b: {  	p1 =	seq.s32 s2, $0x1;
	s2 =	sld [smem:$0x7E4]  }
0x23c: {  	s16 =	sld [smem:$0x7E6];
	_ =	sdelay $0x1  }
0x23d: {  	s10 =	sor.u32 @!p1 $0x1C05, s10;
	s2 =	sadd.s32 @!p1 s3, s2  }
0x23e: {  	[hbm:s2], [sflag:s10] =	dma.local @!p1 [spmem:s16], $0x400  }
0x23f: {  	s2 =	sld [smem:$0x7EC]  }
0x240: {  	s16 =	sld [smem:$0x7FD]  }
0x241: {  	s10 =	sld [smem:$0x7E7];
	_ =	sdelay $0x1  }
0x242: {  	p0 =	seq.s32 s16, $0x1  }
0x243: {  	s2 =	sadd.s32 @!p0 s10, s2;
	s10 =	sor.u32 @!p0 $0x1C05, s29  }
0x244: {  	[hbm:s2], [sflag:s10] =	dma.local @!p0 [spmem:s30], $0x200  }
0x245: {  	s7 =	sor.u32 @!p5 $0x1C05, s7;
	s2 =	sadd.s32 @!p5 s3, s13  }
0x246: {  	[hbm:s2], [sflag:s7] =	dma.local @!p5 [spmem:s18], $0x200  }
0x247: {  	s2 =	sld [smem:$0x7EE];
	_ =	sdelay $0x2  }
0x248: {  	s7 =	sor.u32 @!p4 $0x1C05, s11;
	s2 =	sadd.s32 @!p4 s20, s2  }
0x249: {  	[hbm:s2], [sflag:s7] =	dma.local @!p4 [spmem:s8], $0x100  }
0x24a: {  	s5 =	sor.u32 @!p6 $0x1C05, s5;
	s2 =	sadd.s32 @!p6 s3, s15  }
0x24b: {  	[hbm:s2], [sflag:s5] =	dma.local @!p6 [spmem:s14], $0x100  }
0x24c: {  	s2 =	sld [smem:$0x7F0];
	_ =	sdelay $0x2  }
0x24d: {  	s0 =	sor.u32 @!p3 $0x1C05, s0;
	s2 =	sadd.s32 @!p3 s31, s2  }
0x24e: {  	[hbm:s2], [sflag:s0] =	dma.local @!p3 [spmem:s22], $0x80  }
0x24f: {  	s21 =	sadd.s32 $0x1, s21;
	s0 =	sadd.s32 @!p2 s3, s6;
	s2 =	sor.u32 @!p2 $0x1C05, s9  }
0x250: {  	[hbm:s0], [sflag:s2] =	dma.local @!p2 [spmem:s23], $0x80  }
0x251: {  	p2 =	por p0, p0;
	p0 =	sne.s32 s21, $0x10  }
.Ltmp8:
0x252: {  	_ = 	snop;
	(pc) =	sbr.rel @p0 .LBB2_2-.Ltmp8, $1  }
0x253: {  	_ =	sdelay $0x3  }
0x254: {  	s0 =	simm.s32 $0x4  }
0x255: {  	_ =	swait.ge [sflag:s0], $0x8400  }
0x256: {  	s22 =	sld [smem:$0x7F1];
	_ =	sdelay $0x2  }
0x257: {  	[sflag:s0] =	ssyncset.done $0x0;
	p0 =	seq.s32 s22, $0x1  }
0x258: {  	[sflag:s0] =	ssyncadd.s32 $0xFFFF7C00;
	s0 =	simm.s32 @!p0 $0x5  }
0x259: {  	_ =	swait.ge @!p0 [sflag:s0], $0x800  }
0x25a: {  	s23 =	sld [smem:$0x7F2];
	_ =	sdelay $0x1  }
0x25b: {  	[sflag:s0] =	ssyncset.done @!p0 $0x0  }
0x25c: {  	[sflag:s0] =	ssyncadd.s32 @!p0 $0xFFFFF800;
	p0 =	seq.s32 s23, $0x1  }
0x25d: {  	s0 =	simm.s32 @!p0 $0x5  }
0x25e: {  	_ =	swait.ge @!p0 [sflag:s0], $0x800  }
0x25f: {  	s25 =	sld [smem:$0x7F3];
	_ =	sdelay $0x1  }
0x260: {  	[sflag:s0] =	ssyncset.done @!p0 $0x0  }
0x261: {  	[sflag:s0] =	ssyncadd.s32 @!p0 $0xFFFFF800;
	p0 =	seq.s32 s25, $0x1  }
0x262: {  	s0 =	simm.s32 @!p0 $0x5  }
0x263: {  	_ =	swait.ge @!p0 [sflag:s0], $0x400  }
0x264: {  	[sflag:s0] =	ssyncset.done @!p0 $0x0  }
0x265: {  	[sflag:s0] =	ssyncadd.s32 @!p0 $0xFFFFFC00;
	s0 =	simm.s32 @!p1 $0x5  }
0x266: {  	_ =	swait.ge @!p1 [sflag:s0], $0x400  }
0x267: {  	[sflag:s0] =	ssyncset.done @!p1 $0x0  }
0x268: {  	[sflag:s0] =	ssyncadd.s32 @!p1 $0xFFFFFC00;
	s0 =	simm.s32 @!p2 $0x5  }
0x269: {  	_ =	swait.ge @!p2 [sflag:s0], $0x200  }
0x26a: {  	s26 =	sld [smem:$0x7F4];
	_ =	sdelay $0x2  }
0x26b: {  	[sflag:s0] =	ssyncset.done @!p2 $0x0;
	p0 =	seq.s32 s26, $0x1  }
0x26c: {  	[sflag:s0] =	ssyncadd.s32 @!p2 $0xFFFFFE00;
	s0 =	simm.s32 @!p0 $0x5  }
0x26d: {  	_ =	swait.ge @!p0 [sflag:s0], $0x200  }
0x26e: {  	s28 =	sld [smem:$0x7F5];
	_ =	sdelay $0x1  }
0x26f: {  	[sflag:s0] =	ssyncset.done @!p0 $0x0  }
0x270: {  	[sflag:s0] =	ssyncadd.s32 @!p0 $0xFFFFFE00;
	p0 =	seq.s32 s28, $0x1  }
0x271: {  	s0 =	simm.s32 @!p0 $0x5  }
0x272: {  	_ =	swait.ge @!p0 [sflag:s0], $0x100  }
0x273: {  	s29 =	sld [smem:$0x7F6];
	_ =	sdelay $0x1  }
0x274: {  	[sflag:s0] =	ssyncset.done @!p0 $0x0  }
0x275: {  	[sflag:s0] =	ssyncadd.s32 @!p0 $0xFFFFFF00;
	p0 =	seq.s32 s29, $0x1  }
0x276: {  	s0 =	simm.s32 @!p0 $0x5  }
0x277: {  	_ =	swait.ge @!p0 [sflag:s0], $0x100  }
0x278: {  	s30 =	sld [smem:$0x7F7];
	_ =	sdelay $0x1  }
0x279: {  	[sflag:s0] =	ssyncset.done @!p0 $0x0  }
0x27a: {  	[sflag:s0] =	ssyncadd.s32 @!p0 $0xFFFFFF00;
	p0 =	seq.s32 s30, $0x1  }
0x27b: {  	s0 =	simm.s32 @!p0 $0x5  }
0x27c: {  	_ =	swait.ge @!p0 [sflag:s0], $0x80  }
0x27d: {  	s31 =	sld [smem:$0x7F8];
	_ =	sdelay $0x2  }
0x27e: {  	[sflag:s0] =	ssyncset.done @!p0 $0x0;
	p1 =	seq.s32 s31, $0x1  }
0x27f: {  	[sflag:s0] =	ssyncadd.s32 @!p0 $0xFFFFFF80;
	s0 =	simm.s32 @!p1 $0x5  }
0x280: {  	_ =	swait.ge @!p1 [sflag:s0], $0x80  }
0x281: {  	s5 =	rddreg [dreg:$0xa]  }
0x282: {  	s2 =	rddreg [dreg:$0x9];
	s5 =	sadd.s32 $0x1, s5  }
0x283: {  	p0 =	sne.s32 s5, s2  }
.Ltmp9:
0x284: {  	_ = 	snop;
	(pc) =	sbr.rel @p0 .LBB2_1-.Ltmp9, $3  }
0x285: {  	_ =	sdelay $0x1  }
0x286: {  	[sflag:s0] =	ssyncset.done @!p1 $0x0  }
0x287: {  	[sflag:s0] =	ssyncadd.s32 @!p1 $0xFFFFFF80  }
0x288: {  	_ =	sfence.sel $0x180000  }
0x289: {  	[bflag:$0x0] =	sbarrier.arrive $0xFFFF  }
0x28a: {  	_ =	strace $0x90000047  }
0x28b: {  	[bflag:$0x2] =	sbarrier.arrive $0xFFFF  }
0x28c: {  	p0 =	sne.s32 s4, $0x0;
	s0 =	rddreg [dreg:$0x5]  }
0x28d: {  	s0 =	sadd.s32 @!p0 $0x100000, s0  }
0x28e: {  	[sflag:s0] =	ssyncadd.tile.s32 @!p0 $0x1;
	_ =	shalt  }
.Lfunc_end2:
_tile_overlayer_lowered:
.L_overlay_start_2:
0x28f: {  	(tag) =	ssettag $0x2  }
0x290: {  	s0 =	rddreg [dreg:$0x0];
	s2 =	stileid.u32  }
0x291: {  	s1 =	rddreg [dreg:$0x1];
	p0 =	sne.s32 s2, $0x0  }
0x292: {  	s3 =	rddreg [dreg:$0x2];
	[bflag:$0x3] =	sbarrier.arrive $0xFFFF;
	s2 =	simm.s32 @!p0 $0x1C06  }
0x293: {  	[timem:s3], [sflag:s2] =	dma.local @!p0 [hbm:s0], s1  }
0x294: {  	s0 =	simm.s32 @!p0 $0x6  }
0x295: {  	_ =	swait.ge @!p0 [sflag:s0], s1  }
0x296: {  	s1 =	ssub.s32 @!p0 $0x0, s1;
	[sflag:s0] =	ssyncset.done @!p0 $0x0  }
0x297: {  	[sflag:s0] =	ssyncadd.s32 @!p0 s1  }
0x298: {  	[bflag:$0x3] =	sbarrier.arrive $0xFFFF  }
0x299: {  	_ =	shalt  }

</sc_bundles>
